<compile_context>
chip_gen: v7x
topology: tpu7x:2x2x1
jax: 0.10.2.dev20260603
libtpu: 0.0.44.dev20260713+nightly
codegen_flags: <defaults>
</compile_context>

<pallas_src>
import functools

import jax
import jax.numpy as jnp
from jax import lax
from jax.experimental import pallas as pl
from jax.experimental.pallas import tpu as pltpu
from jax.experimental.pallas import tpu_sc as plsc

_T = 4096
_D = 4096
_E = 64
_CAP = 128
_TB1 = 512
_TB2 = 256

_NC = 2
_NS = 16
_NW = _NC * _NS
_L = 16
_FLAT = _T * _E * _CAP
_PER_W = _FLAT // _NW
_CHUNK = 32768
_NCH = _PER_W // _CHUNK
_TPW = _T // _NW

_sc_mesh = plsc.VectorSubcoreMesh(core_axis_name="c", subcore_axis_name="s")


def _gate_kernel(x_ref, wg_ref, gum_ref,
                 idx1_ref, idx2_ref, g1_ref, g2_ref, loc1_ref, loc2_ref,
                 gsum_ref, expc_ref, cnt1_ref, cnt2_ref, tri_ref):
  i = pl.program_id(0)
  nb = pl.num_programs(0)

  @pl.when(i == 0)
  def _init():
    cnt1_ref[...] = jnp.zeros((1, _E), jnp.float32)
    cnt2_ref[...] = jnp.zeros((1, _E), jnp.float32)
    gsum_ref[...] = jnp.zeros((1, _E), jnp.float32)
    r = lax.broadcasted_iota(jnp.int32, (_TB1, _TB1), 0)
    c = lax.broadcasted_iota(jnp.int32, (_TB1, _TB1), 1)
    tri_ref[...] = (r >= c).astype(jnp.float32)

  logits = jnp.dot(x_ref[...], wg_ref[...],
                   preferred_element_type=jnp.float32)
  m = jnp.max(logits, axis=1, keepdims=True)
  ex = jnp.exp(logits - m)
  gates = ex / jnp.sum(ex, axis=1, keepdims=True)

  iota_e = lax.broadcasted_iota(jnp.int32, (_TB1, _E), 1)
  gmax = jnp.max(gates, axis=1, keepdims=True)
  idx1 = jnp.min(jnp.where(gates == gmax, iota_e, _E),
                 axis=1, keepdims=True)
  lw = logits + gum_ref[...]
  lw2 = jnp.where(iota_e == idx1, -jnp.inf, lw)
  m2 = jnp.max(lw2, axis=1, keepdims=True)
  idx2 = jnp.min(jnp.where(lw2 == m2, iota_e, _E),
                 axis=1, keepdims=True)
  mask1 = (iota_e == idx1).astype(jnp.float32)
  mask2 = (iota_e == idx2).astype(jnp.float32)
  g2 = jnp.dot(gates * mask2, jnp.ones((_E, 1), jnp.float32),
               preferred_element_type=jnp.float32)

  tri = tri_ref[...]
  csum1 = jnp.dot(tri, mask1, preferred_element_type=jnp.float32)
  csum2 = jnp.dot(tri, mask2, preferred_element_type=jnp.float32)
  loc1 = csum1 - 1.0 + cnt1_ref[...]
  loc2 = csum2 - 1.0 + cnt2_ref[...]
  ones_e = jnp.ones((_E, 1), jnp.float32)
  ones_t = jnp.ones((1, _TB1), jnp.float32)
  loc1_s = jnp.dot(mask1 * loc1, ones_e, preferred_element_type=jnp.float32)
  loc2_s = jnp.dot(mask2 * loc2, ones_e, preferred_element_type=jnp.float32)

  cnt1_ref[...] += jnp.dot(ones_t, mask1, preferred_element_type=jnp.float32)
  cnt2_ref[...] += jnp.dot(ones_t, mask2, preferred_element_type=jnp.float32)
  gsum_ref[...] += jnp.dot(ones_t, gates, preferred_element_type=jnp.float32)

  idx1_ref[...] = idx1.reshape(_TB1)
  idx2_ref[...] = idx2.reshape(_TB1)
  g1_ref[...] = gmax.reshape(_TB1)
  g2_ref[...] = g2.reshape(_TB1)
  loc1_ref[...] = loc1_s.astype(jnp.int32).reshape(_TB1)
  loc2_ref[...] = loc2_s.astype(jnp.int32).reshape(_TB1)

  @pl.when(i == nb - 1)
  def _fin():
    expc_ref[...] = cnt1_ref[...].astype(jnp.int32)


def _disp_kernel(idx1_ref, idx2_ref, loc1_ref, loc2_ref, g1_ref, g2_ref,
                 expc_ref, gsum_ref, disp_ref, laux_ref, loc2f_ref):
  i = pl.program_id(0)
  idx1 = idx1_ref[...].reshape(_TB2, 1)
  idx2 = idx2_ref[...].reshape(_TB2, 1)
  loc1 = loc1_ref[...].reshape(_TB2, 1)
  loc2p = loc2_ref[...].reshape(_TB2, 1)
  g1 = g1_ref[...].reshape(_TB2, 1)
  g2 = g2_ref[...].reshape(_TB2, 1)
  expc = expc_ref[...]

  iota_e = lax.broadcasted_iota(jnp.int32, (_TB2, _E), 1)
  totb = jnp.broadcast_to(expc, (_TB2, _E))
  tot2 = jnp.sum(jnp.where(iota_e == idx2, totb, 0),
                 axis=1, keepdims=True)
  loc2 = loc2p + tot2
  loc2f_ref[...] = loc2.reshape(_TB2)

  keep1 = loc1 < _CAP
  keep2 = loc2 < _CAP
  g1k = jnp.where(keep1, g1, 0.0)
  g2k = jnp.where(keep2, g2, 0.0)
  nz1 = g1k != 0.0
  nz2 = g2k != 0.0

  k1 = jnp.where(nz1, idx1 * _CAP + loc1, -1)
  k2 = jnp.where(nz2, idx2 * _CAP + loc2, -1)
  key = (lax.broadcasted_iota(jnp.int32, (_TB2, _E, _CAP), 1) * _CAP +
         lax.broadcasted_iota(jnp.int32, (_TB2, _E, _CAP), 2))
  disp_ref[...] = ((key == k1[:, :, None]) |
                   (key == k2[:, :, None])).astype(jnp.int8)

  @pl.when(i == 0)
  def _laux():
    me = gsum_ref[...] * (1.0 / _T)
    ce = expc.astype(jnp.float32) * (1.0 / _T)
    laux_ref[...] = (jnp.sum(me * ce) * float(_E)).reshape(1, 1)


@functools.partial(
    pl.kernel, mesh=_sc_mesh,
    out_type=jax.ShapeDtypeStruct((_FLAT,), jnp.float32),
    scratch_types=[pltpu.VMEM((_CHUNK,), jnp.float32),
                   pltpu.SemaphoreType.DMA],
)
def _sc_memset(zsrc_hbm, out_hbm, zbuf, sem):
  wid = lax.axis_index("s") * _NC + lax.axis_index("c")
  base = wid * _PER_W
  pltpu.sync_copy(zsrc_hbm, zbuf)

  pltpu.async_copy(zbuf, out_hbm.at[pl.ds(base, _CHUNK)], sem)

  def body(ch, carry):
    @pl.when(ch < _NCH - 1)
    def _start_next():
      pltpu.async_copy(
          zbuf, out_hbm.at[pl.ds(base + (ch + 1) * _CHUNK, _CHUNK)], sem)
    pltpu.make_async_copy(
        zbuf, out_hbm.at[pl.ds(base, _CHUNK)], sem).wait()
    return carry

  lax.fori_loop(0, _NCH, body, 0)


@functools.partial(
    pl.kernel, mesh=_sc_mesh,
    out_type=(),
    scratch_types=[pltpu.VMEM((_TPW,), jnp.int32),
                   pltpu.VMEM((_TPW,), jnp.int32),
                   pltpu.VMEM((_TPW,), jnp.int32),
                   pltpu.VMEM((_TPW,), jnp.int32),
                   pltpu.VMEM((_TPW,), jnp.float32),
                   pltpu.VMEM((_TPW,), jnp.float32),
                   pltpu.VMEM((2, _TPW), jnp.int32),
                   pltpu.VMEM((2, _TPW), jnp.float32),
                   pltpu.SemaphoreType.DMA,
                   pltpu.SemaphoreType.DMA],
)
def _sc_scatter(comb_hbm, idx1_hbm, idx2_hbm, loc1_hbm, loc2_hbm,
                g1_hbm, g2_hbm,
                i1v, i2v, l1v, l2v, g1v, g2v, wv, vv, sem, sem2):
  wid = lax.axis_index("s") * _NC + lax.axis_index("c")
  base = wid * _TPW
  pltpu.sync_copy(idx1_hbm.at[pl.ds(base, _TPW)], i1v)
  pltpu.sync_copy(idx2_hbm.at[pl.ds(base, _TPW)], i2v)
  pltpu.sync_copy(loc1_hbm.at[pl.ds(base, _TPW)], l1v)
  pltpu.sync_copy(loc2_hbm.at[pl.ds(base, _TPW)], l2v)
  pltpu.sync_copy(g1_hbm.at[pl.ds(base, _TPW)], g1v)
  pltpu.sync_copy(g2_hbm.at[pl.ds(base, _TPW)], g2v)

  eps = jnp.float32(jnp.finfo(jnp.float32).eps)
  for j in range(_TPW // _L):
    sl = pl.ds(j * _L, _L)
    i1 = i1v[sl]
    i2 = i2v[sl]
    l1 = l1v[sl]
    l2 = l2v[sl]
    k1 = l1 < _CAP
    k2 = l2 < _CAP
    g1 = jnp.where(k1, g1v[sl], 0.0)
    g2 = jnp.where(k2, g2v[sl], 0.0)
    den = jnp.maximum(g1 + g2, eps)
    tok = base + j * _L + lax.iota(jnp.int32, _L)
    wv[0, sl] = tok * (_E * _CAP) + i1 * _CAP + jnp.where(k1, l1, 0)
    wv[1, sl] = tok * (_E * _CAP) + i2 * _CAP + jnp.where(k2, l2, 0)
    vv[0, sl] = g1 / den
    vv[1, sl] = g2 / den

  c1 = pltpu.async_copy(vv.at[0], comb_hbm.at[wv.at[0]], sem)
  c2 = pltpu.async_copy(vv.at[1], comb_hbm.at[wv.at[1]], sem2)
  c1.wait()
  c2.wait()


def kernel(input, wg):
  x = input.astype(jnp.float32)
  gum = jax.random.gumbel(jax.random.key(42), (_T, _E), jnp.float32)

  zsrc = jnp.zeros((_CHUNK,), jnp.float32)
  comb0 = _sc_memset(zsrc)

  nb1 = _T // _TB1
  vec_i = jax.ShapeDtypeStruct((_T,), jnp.int32)
  vec_f = jax.ShapeDtypeStruct((_T,), jnp.float32)
  row_f = jax.ShapeDtypeStruct((1, _E), jnp.float32)
  row_i = jax.ShapeDtypeStruct((1, _E), jnp.int32)

  vb = pl.BlockSpec((_TB1,), lambda i: (i,))
  rowb = pl.BlockSpec((1, _E), lambda i: (0, 0))

  idx1, idx2, g1, g2, loc1, loc2, gsum, expc = pl.pallas_call(
      _gate_kernel,
      grid=(nb1,),
      in_specs=[
          pl.BlockSpec((_TB1, _D), lambda i: (i, 0)),
          pl.BlockSpec((_D, _E), lambda i: (0, 0)),
          pl.BlockSpec((_TB1, _E), lambda i: (i, 0)),
      ],
      out_specs=[vb, vb, vb, vb, vb, vb, rowb, rowb],
      out_shape=[vec_i, vec_i, vec_f, vec_f, vec_i, vec_i, row_f, row_i],
      scratch_shapes=[pltpu.VMEM((1, _E), jnp.float32),
                      pltpu.VMEM((1, _E), jnp.float32),
                      pltpu.VMEM((_TB1, _TB1), jnp.float32)],
  )(x, wg, gum)

  nb2 = _T // _TB2
  vb2 = pl.BlockSpec((_TB2,), lambda i: (i,))
  rowb2 = pl.BlockSpec((1, _E), lambda i: (0, 0))
  disp, laux, loc2f = pl.pallas_call(
      _disp_kernel,
      grid=(nb2,),
      in_specs=[vb2, vb2, vb2, vb2, vb2, vb2, rowb2, rowb2],
      out_specs=[
          pl.BlockSpec((_TB2, _E, _CAP), lambda i: (i, 0, 0)),
          pl.BlockSpec((1, 1), lambda i: (0, 0)),
          vb2,
      ],
      out_shape=[
          jax.ShapeDtypeStruct((_T, _E, _CAP), jnp.int8),
          jax.ShapeDtypeStruct((1, 1), jnp.float32),
          jax.ShapeDtypeStruct((_T,), jnp.int32),
      ],
  )(idx1, idx2, loc1, loc2, g1, g2, expc, gsum)

  cref = jax.new_ref(comb0)
  _sc_scatter(cref, idx1, idx2, loc1, loc2f, g1, g2)
  comb = jax.freeze(cref).reshape(_T, _E, _CAP)

  dispb = disp.view(jnp.bool_)
  return (laux.reshape(()), comb, dispb, expc.reshape(_E))

# --- scband reference (transcript-rebuilt; emitter-appended) ---
"""Pipeline reference for scband-top-kgate-13159779794953 (READ-ONLY COPY).

The authoritative reference and input builder live on the scoring server;
editing this copy changes nothing except your own understanding.
"""

import jax, jax.numpy as jnp
import numpy as np

NUM_TOKENS = 4096
MODEL_DIM = 4096
NUM_EXPERTS = 64
CAPACITY_FACTOR = 1.0
MIN_CAPACITY = 4


def _capacity_static():
    cap = int(np.ceil(NUM_TOKENS / NUM_EXPERTS * CAPACITY_FACTOR * 2.0))
    if cap < MIN_CAPACITY:
        cap = MIN_CAPACITY
    return cap


def setup_inputs(seed: int = 0) -> dict:
    key = jax.random.key(seed)
    k1, k2 = jax.random.split(key)
    x = jax.random.normal(k1, (NUM_TOKENS, MODEL_DIM), dtype=jnp.float32)
    wg = jax.random.normal(k2, (MODEL_DIM, NUM_EXPERTS), dtype=jnp.float32) * 0.02
    return {"input": x, "wg": wg}


def _top2gating(logits):
    gates = jax.nn.softmax(logits, axis=1)
    num_experts = NUM_EXPERTS
    capacity = _capacity_static()
    indices1_s = jnp.argmax(gates, axis=1)
    mask1 = jax.nn.one_hot(indices1_s, num_experts, dtype=jnp.int32)
    gumbel = jax.random.gumbel(jax.random.key(42), logits.shape, dtype=logits.dtype)
    logits_w_noise = logits + gumbel
    logits_except1 = jnp.where(mask1.astype(bool), -jnp.inf, logits_w_noise)
    indices2_s = jnp.argmax(logits_except1, axis=1)
    mask2 = jax.nn.one_hot(indices2_s, num_experts, dtype=jnp.int32)
    locations1 = jnp.cumsum(mask1, axis=0) - 1
    locations2 = jnp.cumsum(mask2, axis=0) - 1
    locations2 = locations2 + jnp.sum(mask1, axis=0, keepdims=True)
    exp_counts = jnp.sum(mask1, axis=0)
    me = jnp.mean(gates, axis=0)
    ce = jnp.mean(mask1.astype(jnp.float32), axis=0)
    l_aux = jnp.mean(me * ce) * num_experts * num_experts
    mask1 = mask1 * (locations1 < capacity).astype(jnp.int32)
    mask2 = mask2 * (locations2 < capacity).astype(jnp.int32)
    locations1_s = jnp.sum(locations1 * mask1, axis=1)
    locations2_s = jnp.sum(locations2 * mask2, axis=1)
    mask1_float = mask1.astype(jnp.float32)
    mask2_float = mask2.astype(jnp.float32)
    gates1_s = jnp.sum(gates * mask1_float, axis=1)
    gates2_s = jnp.sum(gates * mask2_float, axis=1)
    denom_s = gates1_s + gates2_s
    denom_s = jnp.maximum(denom_s, jnp.finfo(denom_s.dtype).eps)
    gates1_s = gates1_s / denom_s
    gates2_s = gates2_s / denom_s
    gates1 = gates1_s[:, None] * mask1_float
    gates2 = gates2_s[:, None] * mask2_float
    locations1_sc = jax.nn.one_hot(locations1_s, capacity, dtype=jnp.float32)
    locations2_sc = jax.nn.one_hot(locations2_s, capacity, dtype=jnp.float32)
    combine1_sec = gates1[:, :, None] * locations1_sc[:, None, :]
    combine2_sec = gates2[:, :, None] * locations2_sc[:, None, :]
    combine_weights = combine1_sec + combine2_sec
    dispatch_mask = combine_weights.astype(bool)
    return l_aux, combine_weights, dispatch_mask, exp_counts


def reference(input, wg):
    logits = input.astype(jnp.float32) @ wg
    return _top2gating(logits)

if __name__ == "__main__":
    import jax
    _d = setup_inputs()
    print(jax.jit(kernel)(*tuple(_d.values())))

</pallas_src>

<mosaic_0001>
#map = affine_map<(d0, d1) -> (0)>
module attributes {stable_mosaic.version = 14 : i64} {
  func.func @_sc_memset(%arg0: i32, %arg1: i32, %arg2: memref<32768xf32, #tpu.memory_space<hbm>>, %arg3: memref<33554432xf32, #tpu.memory_space<hbm>>, %arg4: memref<32768xf32, #tpu.memory_space<vmem>>, %arg5: memref<!tpu.dma_semaphore, #tpu.memory_space<semaphore_mem>>) attributes {dimension_semantics = [#tpu.dimension_semantics<core_parallel>, #tpu.dimension_semantics<subcore_parallel>], iteration_bounds = array<i64: 2, 16>, scalar_prefetch = 0 : i64, scratch_operands = 2 : i64, tpu.core_type = #tpu.core_type<sc_vector_subcore>, window_params = [{transform_indices = #map}, {transform_indices = #map}]} {
    %mul3A = arith.constant 2 : i32
    %mul3A_0 = arith.muli %arg1, %mul3A : i32
    %add3A = arith.addi %mul3A_0, %arg0 : i32
    %mul3A_1 = arith.constant 1048576 : i32
    %mul3A_2 = arith.muli %add3A, %mul3A_1 : i32
    "tpu.region"() ({
      %run_scoped3A = tpu.sem_alloc : memref<!tpu.dma_semaphore, #tpu.memory_space<semaphore_mem>>
      tpu.enqueue_dma source(%arg2 : memref<32768xf32, #tpu.memory_space<hbm>>) target(%arg4 : memref<32768xf32, #tpu.memory_space<vmem>>) target_semaphore(%run_scoped3A : memref<!tpu.dma_semaphore, #tpu.memory_space<semaphore_mem>>)
      tpu.wait_dma2 semaphore(%run_scoped3A : memref<!tpu.dma_semaphore, #tpu.memory_space<semaphore_mem>>) src(%arg2 : memref<32768xf32, #tpu.memory_space<hbm>>) dst(%arg4 : memref<32768xf32, #tpu.memory_space<vmem>>)
      tpu.yield
    }) : () -> ()
    %dma_start3A = tpu.memref_slice %arg3[%mul3A_2] : memref<33554432xf32, #tpu.memory_space<hbm>> -> memref<32768xf32, #tpu.memory_space<hbm>>
    %dma_start3A_3 = tpu.memref_slice %arg3[%mul3A_2] : memref<33554432xf32, #tpu.memory_space<hbm>> -> memref<32768xf32, #tpu.memory_space<hbm>>
    tpu.enqueue_dma source(%arg4 : memref<32768xf32, #tpu.memory_space<vmem>>) target(%dma_start3A_3 : memref<32768xf32, #tpu.memory_space<hbm>>) target_semaphore(%arg5 : memref<!tpu.dma_semaphore, #tpu.memory_space<semaphore_mem>>)
    %scan3A = arith.constant 0 : i32
    %scan3A_4 = arith.constant 0 : i32
    %scan3A_5 = arith.constant 32 : i32
    %scan3A_6 = arith.addi %scan3A_4, %scan3A_5 : i32
    %scan3A_7 = arith.constant 1 : i32
    scf.for %scan3A_9 = %scan3A_4 to %scan3A_6 step %scan3A_7  : i32 {
      %lt3A = arith.constant 31 : i32
      %lt3A_10 = arith.cmpi slt, %scan3A_9, %lt3A : i32
      %convert_element_type3A = arith.extui %lt3A_10 : i1 to i32
      %cond3A = arith.constant 0 : i32
      %cond3A_11 = arith.cmpi ne, %convert_element_type3A, %cond3A : i32
      scf.if %cond3A_11 {
        %add3A_13 = arith.constant 1 : i32
        %add3A_14 = arith.addi %scan3A_9, %add3A_13 : i32
        %mul3A_15 = arith.constant 32768 : i32
        %mul3A_16 = arith.muli %add3A_14, %mul3A_15 : i32
        %add3A_17 = arith.addi %mul3A_2, %mul3A_16 : i32
        %dma_start3A_18 = tpu.memref_slice %arg3[%add3A_17] : memref<33554432xf32, #tpu.memory_space<hbm>> -> memref<32768xf32, #tpu.memory_space<hbm>>
        %dma_start3A_19 = tpu.memref_slice %arg3[%add3A_17] : memref<33554432xf32, #tpu.memory_space<hbm>> -> memref<32768xf32, #tpu.memory_space<hbm>>
        tpu.enqueue_dma source(%arg4 : memref<32768xf32, #tpu.memory_space<vmem>>) target(%dma_start3A_19 : memref<32768xf32, #tpu.memory_space<hbm>>) target_semaphore(%arg5 : memref<!tpu.dma_semaphore, #tpu.memory_space<semaphore_mem>>)
      } else {
      }
      %dma_wait3A = tpu.memref_slice %arg3[%mul3A_2] : memref<33554432xf32, #tpu.memory_space<hbm>> -> memref<32768xf32, #tpu.memory_space<hbm>>
      %dma_wait3A_12 = tpu.memref_slice %arg3[%mul3A_2] : memref<33554432xf32, #tpu.memory_space<hbm>> -> memref<32768xf32, #tpu.memory_space<hbm>>
      tpu.wait_dma2 semaphore(%arg5 : memref<!tpu.dma_semaphore, #tpu.memory_space<semaphore_mem>>) src(%arg4 : memref<32768xf32, #tpu.memory_space<vmem>>) dst(%dma_wait3A_12 : memref<32768xf32, #tpu.memory_space<hbm>>)
    }
    %scan3A_8 = arith.constant 32 : i32
    return
  }
}

#map = affine_map<(d0, d1) -> (0)>
module attributes {stable_mosaic.version = 14 : i64} {
  func.func @new_body(%arg0: i32, %arg1: i32, %arg2: memref<33554432xf32, #tpu.memory_space<hbm>>, %arg3: memref<4096xi32, #tpu.memory_space<hbm>>, %arg4: memref<4096xi32, #tpu.memory_space<hbm>>, %arg5: memref<4096xi32, #tpu.memory_space<hbm>>, %arg6: memref<4096xi32, #tpu.memory_space<hbm>>, %arg7: memref<4096xf32, #tpu.memory_space<hbm>>, %arg8: memref<4096xf32, #tpu.memory_space<hbm>>, %arg9: memref<33554432xf32, #tpu.memory_space<hbm>>, %arg10: memref<128xi32, #tpu.memory_space<vmem>>, %arg11: memref<128xi32, #tpu.memory_space<vmem>>, %arg12: memref<128xi32, #tpu.memory_space<vmem>>, %arg13: memref<128xi32, #tpu.memory_space<vmem>>, %arg14: memref<128xf32, #tpu.memory_space<vmem>>, %arg15: memref<128xf32, #tpu.memory_space<vmem>>, %arg16: memref<2x128xi32, #tpu.memory_space<vmem>>, %arg17: memref<2x128xf32, #tpu.memory_space<vmem>>, %arg18: memref<!tpu.dma_semaphore, #tpu.memory_space<semaphore_mem>>, %arg19: memref<!tpu.dma_semaphore, #tpu.memory_space<semaphore_mem>>) attributes {dimension_semantics = [#tpu.dimension_semantics<core_parallel>, #tpu.dimension_semantics<subcore_parallel>], iteration_bounds = array<i64: 2, 16>, scalar_prefetch = 0 : i64, scratch_operands = 10 : i64, tpu.core_type = #tpu.core_type<sc_vector_subcore>, window_params = [{transform_indices = #map}, {transform_indices = #map}, {transform_indices = #map}, {transform_indices = #map}, {transform_indices = #map}, {transform_indices = #map}, {transform_indices = #map}, {transform_indices = #map}]} {
    %mul3A = arith.constant 2 : i32
    %mul3A_0 = arith.muli %arg1, %mul3A : i32
    %add3A = arith.addi %mul3A_0, %arg0 : i32
    %mul3A_1 = arith.constant 128 : i32
    %mul3A_2 = arith.muli %add3A, %mul3A_1 : i32
    "tpu.region"() ({
      %run_scoped3A = tpu.sem_alloc : memref<!tpu.dma_semaphore, #tpu.memory_space<semaphore_mem>>
      %dma_start3A_728 = tpu.memref_slice %arg3[%mul3A_2] : memref<4096xi32, #tpu.memory_space<hbm>> -> memref<128xi32, #tpu.memory_space<hbm>>
      %dma_start3A_729 = tpu.memref_slice %arg3[%mul3A_2] : memref<4096xi32, #tpu.memory_space<hbm>> -> memref<128xi32, #tpu.memory_space<hbm>>
      tpu.enqueue_dma source(%dma_start3A_729 : memref<128xi32, #tpu.memory_space<hbm>>) target(%arg10 : memref<128xi32, #tpu.memory_space<vmem>>) target_semaphore(%run_scoped3A : memref<!tpu.dma_semaphore, #tpu.memory_space<semaphore_mem>>)
      %dma_wait3A_730 = tpu.memref_slice %arg3[%mul3A_2] : memref<4096xi32, #tpu.memory_space<hbm>> -> memref<128xi32, #tpu.memory_space<hbm>>
      %dma_wait3A_731 = tpu.memref_slice %arg3[%mul3A_2] : memref<4096xi32, #tpu.memory_space<hbm>> -> memref<128xi32, #tpu.memory_space<hbm>>
      tpu.wait_dma2 semaphore(%run_scoped3A : memref<!tpu.dma_semaphore, #tpu.memory_space<semaphore_mem>>) src(%dma_wait3A_731 : memref<128xi32, #tpu.memory_space<hbm>>) dst(%arg10 : memref<128xi32, #tpu.memory_space<vmem>>)
      tpu.yield
    }) : () -> ()
    "tpu.region"() ({
      %run_scoped3A = tpu.sem_alloc : memref<!tpu.dma_semaphore, #tpu.memory_space<semaphore_mem>>
      %dma_start3A_728 = tpu.memref_slice %arg4[%mul3A_2] : memref<4096xi32, #tpu.memory_space<hbm>> -> memref<128xi32, #tpu.memory_space<hbm>>
      %dma_start3A_729 = tpu.memref_slice %arg4[%mul3A_2] : memref<4096xi32, #tpu.memory_space<hbm>> -> memref<128xi32, #tpu.memory_space<hbm>>
      tpu.enqueue_dma source(%dma_start3A_729 : memref<128xi32, #tpu.memory_space<hbm>>) target(%arg11 : memref<128xi32, #tpu.memory_space<vmem>>) target_semaphore(%run_scoped3A : memref<!tpu.dma_semaphore, #tpu.memory_space<semaphore_mem>>)
      %dma_wait3A_730 = tpu.memref_slice %arg4[%mul3A_2] : memref<4096xi32, #tpu.memory_space<hbm>> -> memref<128xi32, #tpu.memory_space<hbm>>
      %dma_wait3A_731 = tpu.memref_slice %arg4[%mul3A_2] : memref<4096xi32, #tpu.memory_space<hbm>> -> memref<128xi32, #tpu.memory_space<hbm>>
      tpu.wait_dma2 semaphore(%run_scoped3A : memref<!tpu.dma_semaphore, #tpu.memory_space<semaphore_mem>>) src(%dma_wait3A_731 : memref<128xi32, #tpu.memory_space<hbm>>) dst(%arg11 : memref<128xi32, #tpu.memory_space<vmem>>)
      tpu.yield
    }) : () -> ()
    "tpu.region"() ({
      %run_scoped3A = tpu.sem_alloc : memref<!tpu.dma_semaphore, #tpu.memory_space<semaphore_mem>>
      %dma_start3A_728 = tpu.memref_slice %arg5[%mul3A_2] : memref<4096xi32, #tpu.memory_space<hbm>> -> memref<128xi32, #tpu.memory_space<hbm>>
      %dma_start3A_729 = tpu.memref_slice %arg5[%mul3A_2] : memref<4096xi32, #tpu.memory_space<hbm>> -> memref<128xi32, #tpu.memory_space<hbm>>
      tpu.enqueue_dma source(%dma_start3A_729 : memref<128xi32, #tpu.memory_space<hbm>>) target(%arg12 : memref<128xi32, #tpu.memory_space<vmem>>) target_semaphore(%run_scoped3A : memref<!tpu.dma_semaphore, #tpu.memory_space<semaphore_mem>>)
      %dma_wait3A_730 = tpu.memref_slice %arg5[%mul3A_2] : memref<4096xi32, #tpu.memory_space<hbm>> -> memref<128xi32, #tpu.memory_space<hbm>>
      %dma_wait3A_731 = tpu.memref_slice %arg5[%mul3A_2] : memref<4096xi32, #tpu.memory_space<hbm>> -> memref<128xi32, #tpu.memory_space<hbm>>
      tpu.wait_dma2 semaphore(%run_scoped3A : memref<!tpu.dma_semaphore, #tpu.memory_space<semaphore_mem>>) src(%dma_wait3A_731 : memref<128xi32, #tpu.memory_space<hbm>>) dst(%arg12 : memref<128xi32, #tpu.memory_space<vmem>>)
      tpu.yield
    }) : () -> ()
    "tpu.region"() ({
      %run_scoped3A = tpu.sem_alloc : memref<!tpu.dma_semaphore, #tpu.memory_space<semaphore_mem>>
      %dma_start3A_728 = tpu.memref_slice %arg6[%mul3A_2] : memref<4096xi32, #tpu.memory_space<hbm>> -> memref<128xi32, #tpu.memory_space<hbm>>
      %dma_start3A_729 = tpu.memref_slice %arg6[%mul3A_2] : memref<4096xi32, #tpu.memory_space<hbm>> -> memref<128xi32, #tpu.memory_space<hbm>>
      tpu.enqueue_dma source(%dma_start3A_729 : memref<128xi32, #tpu.memory_space<hbm>>) target(%arg13 : memref<128xi32, #tpu.memory_space<vmem>>) target_semaphore(%run_scoped3A : memref<!tpu.dma_semaphore, #tpu.memory_space<semaphore_mem>>)
      %dma_wait3A_730 = tpu.memref_slice %arg6[%mul3A_2] : memref<4096xi32, #tpu.memory_space<hbm>> -> memref<128xi32, #tpu.memory_space<hbm>>
      %dma_wait3A_731 = tpu.memref_slice %arg6[%mul3A_2] : memref<4096xi32, #tpu.memory_space<hbm>> -> memref<128xi32, #tpu.memory_space<hbm>>
      tpu.wait_dma2 semaphore(%run_scoped3A : memref<!tpu.dma_semaphore, #tpu.memory_space<semaphore_mem>>) src(%dma_wait3A_731 : memref<128xi32, #tpu.memory_space<hbm>>) dst(%arg13 : memref<128xi32, #tpu.memory_space<vmem>>)
      tpu.yield
    }) : () -> ()
    "tpu.region"() ({
      %run_scoped3A = tpu.sem_alloc : memref<!tpu.dma_semaphore, #tpu.memory_space<semaphore_mem>>
      %dma_start3A_728 = tpu.memref_slice %arg7[%mul3A_2] : memref<4096xf32, #tpu.memory_space<hbm>> -> memref<128xf32, #tpu.memory_space<hbm>>
      %dma_start3A_729 = tpu.memref_slice %arg7[%mul3A_2] : memref<4096xf32, #tpu.memory_space<hbm>> -> memref<128xf32, #tpu.memory_space<hbm>>
      tpu.enqueue_dma source(%dma_start3A_729 : memref<128xf32, #tpu.memory_space<hbm>>) target(%arg14 : memref<128xf32, #tpu.memory_space<vmem>>) target_semaphore(%run_scoped3A : memref<!tpu.dma_semaphore, #tpu.memory_space<semaphore_mem>>)
      %dma_wait3A_730 = tpu.memref_slice %arg7[%mul3A_2] : memref<4096xf32, #tpu.memory_space<hbm>> -> memref<128xf32, #tpu.memory_space<hbm>>
      %dma_wait3A_731 = tpu.memref_slice %arg7[%mul3A_2] : memref<4096xf32, #tpu.memory_space<hbm>> -> memref<128xf32, #tpu.memory_space<hbm>>
      tpu.wait_dma2 semaphore(%run_scoped3A : memref<!tpu.dma_semaphore, #tpu.memory_space<semaphore_mem>>) src(%dma_wait3A_731 : memref<128xf32, #tpu.memory_space<hbm>>) dst(%arg14 : memref<128xf32, #tpu.memory_space<vmem>>)
      tpu.yield
    }) : () -> ()
    "tpu.region"() ({
      %run_scoped3A = tpu.sem_alloc : memref<!tpu.dma_semaphore, #tpu.memory_space<semaphore_mem>>
      %dma_start3A_728 = tpu.memref_slice %arg8[%mul3A_2] : memref<4096xf32, #tpu.memory_space<hbm>> -> memref<128xf32, #tpu.memory_space<hbm>>
      %dma_start3A_729 = tpu.memref_slice %arg8[%mul3A_2] : memref<4096xf32, #tpu.memory_space<hbm>> -> memref<128xf32, #tpu.memory_space<hbm>>
      tpu.enqueue_dma source(%dma_start3A_729 : memref<128xf32, #tpu.memory_space<hbm>>) target(%arg15 : memref<128xf32, #tpu.memory_space<vmem>>) target_semaphore(%run_scoped3A : memref<!tpu.dma_semaphore, #tpu.memory_space<semaphore_mem>>)
      %dma_wait3A_730 = tpu.memref_slice %arg8[%mul3A_2] : memref<4096xf32, #tpu.memory_space<hbm>> -> memref<128xf32, #tpu.memory_space<hbm>>
      %dma_wait3A_731 = tpu.memref_slice %arg8[%mul3A_2] : memref<4096xf32, #tpu.memory_space<hbm>> -> memref<128xf32, #tpu.memory_space<hbm>>
      tpu.wait_dma2 semaphore(%run_scoped3A : memref<!tpu.dma_semaphore, #tpu.memory_space<semaphore_mem>>) src(%dma_wait3A_731 : memref<128xf32, #tpu.memory_space<hbm>>) dst(%arg15 : memref<128xf32, #tpu.memory_space<vmem>>)
      tpu.yield
    }) : () -> ()
    %get3A = arith.constant 0 : index
    %get3A_3 = tpu.vector_load %arg10[%get3A] {strides = array<i32>} : memref<128xi32, #tpu.memory_space<vmem>>, vector<16xi32>,
    %get3A_4 = vector.shape_cast %get3A_3 : vector<16xi32> to vector<16xi32>
    %get3A_5 = arith.constant 0 : index
    %get3A_6 = tpu.vector_load %arg11[%get3A_5] {strides = array<i32>} : memref<128xi32, #tpu.memory_space<vmem>>, vector<16xi32>,
    %get3A_7 = vector.shape_cast %get3A_6 : vector<16xi32> to vector<16xi32>
    %get3A_8 = arith.constant 0 : index
    %get3A_9 = tpu.vector_load %arg12[%get3A_8] {strides = array<i32>} : memref<128xi32, #tpu.memory_space<vmem>>, vector<16xi32>,
    %get3A_10 = vector.shape_cast %get3A_9 : vector<16xi32> to vector<16xi32>
    %get3A_11 = arith.constant 0 : index
    %get3A_12 = tpu.vector_load %arg13[%get3A_11] {strides = array<i32>} : memref<128xi32, #tpu.memory_space<vmem>>, vector<16xi32>,
    %get3A_13 = vector.shape_cast %get3A_12 : vector<16xi32> to vector<16xi32>
    %lt3A = arith.constant 128 : i32
    %lt3A_14 = vector.broadcast %lt3A : i32 to vector<16xi32>
    %lt3A_15 = arith.cmpi slt, %get3A_10, %lt3A_14 : vector<16xi32>
    %lt3A_16 = arith.constant 128 : i32
    %lt3A_17 = vector.broadcast %lt3A_16 : i32 to vector<16xi32>
    %lt3A_18 = arith.cmpi slt, %get3A_13, %lt3A_17 : vector<16xi32>
    %get3A_19 = arith.constant 0 : index
    %get3A_20 = tpu.vector_load %arg14[%get3A_19] {strides = array<i32>} : memref<128xf32, #tpu.memory_space<vmem>>, vector<16xf32>,
    %get3A_21 = vector.shape_cast %get3A_20 : vector<16xf32> to vector<16xf32>
    %jit3A = arith.constant 0.000000e+00 : f32
    %broadcast_in_dim3A = vector.broadcast %jit3A : f32 to vector<16xf32>
    %select_n3A = arith.select %lt3A_15, %get3A_21, %broadcast_in_dim3A : vector<16xi1>, vector<16xf32>
    %get3A_22 = arith.constant 0 : index
    %get3A_23 = tpu.vector_load %arg15[%get3A_22] {strides = array<i32>} : memref<128xf32, #tpu.memory_space<vmem>>, vector<16xf32>,
    %get3A_24 = vector.shape_cast %get3A_23 : vector<16xf32> to vector<16xf32>
    %jit3A_25 = arith.constant 0.000000e+00 : f32
    %broadcast_in_dim3A_26 = vector.broadcast %jit3A_25 : f32 to vector<16xf32>
    %select_n3A_27 = arith.select %lt3A_18, %get3A_24, %broadcast_in_dim3A_26 : vector<16xi1>, vector<16xf32>
    %add3A_28 = arith.addf %select_n3A, %select_n3A_27 : vector<16xf32>
    %max3A = arith.constant 1.1920929E-7 : f32
    %max3A_29 = vector.broadcast %max3A : f32 to vector<16xf32>
    %max3A_30 = arith.maximumf %add3A_28, %max3A_29 : vector<16xf32>
    %add3A_31 = arith.constant 0 : i32
    %add3A_32 = arith.addi %mul3A_2, %add3A_31 : i32
    %iota3A = tpu.iota {dimensions = array<i32: 0>} : vector<16xi32>
    %add3A_33 = vector.broadcast %add3A_32 : i32 to vector<16xi32>
    %add3A_34 = arith.addi %add3A_33, %iota3A : vector<16xi32>
    %mul3A_35 = arith.constant 8192 : i32
    %mul3A_36 = vector.broadcast %mul3A_35 : i32 to vector<16xi32>
    %mul3A_37 = arith.muli %add3A_34, %mul3A_36 : vector<16xi32>
    %mul3A_38 = arith.constant 128 : i32
    %mul3A_39 = vector.broadcast %mul3A_38 : i32 to vector<16xi32>
    %mul3A_40 = arith.muli %get3A_4, %mul3A_39 : vector<16xi32>
    %add3A_41 = arith.addi %mul3A_37, %mul3A_40 : vector<16xi32>
    %jit3A_42 = arith.constant 0 : i32
    %broadcast_in_dim3A_43 = vector.broadcast %jit3A_42 : i32 to vector<16xi32>
    %select_n3A_44 = arith.select %lt3A_15, %get3A_10, %broadcast_in_dim3A_43 : vector<16xi1>, vector<16xi32>
    %add3A_45 = arith.addi %add3A_41, %select_n3A_44 : vector<16xi32>
    %swap3A = arith.constant 0 : i32
    %swap3A_46 = arith.index_cast %swap3A : i32 to index
    %swap3A_47 = arith.constant 0 : index
    %swap3A_48 = tpu.vector_load %arg16[%swap3A_46, %swap3A_47] {strides = array<i32>} : memref<2x128xi32, #tpu.memory_space<vmem>>, vector<1x16xi32>,
    %swap3A_49 = vector.shape_cast %swap3A_48 : vector<1x16xi32> to vector<16xi32>
    %swap3A_50 = vector.shape_cast %add3A_45 : vector<16xi32> to vector<1x16xi32>
    tpu.vector_store %arg16[%swap3A_46, %swap3A_47], %swap3A_50 {strides = array<i32>} : memref<2x128xi32, #tpu.memory_space<vmem>>, vector<1x16xi32>,
    %mul3A_51 = arith.constant 8192 : i32
    %mul3A_52 = vector.broadcast %mul3A_51 : i32 to vector<16xi32>
    %mul3A_53 = arith.muli %add3A_34, %mul3A_52 : vector<16xi32>
    %mul3A_54 = arith.constant 128 : i32
    %mul3A_55 = vector.broadcast %mul3A_54 : i32 to vector<16xi32>
    %mul3A_56 = arith.muli %get3A_7, %mul3A_55 : vector<16xi32>
    %add3A_57 = arith.addi %mul3A_53, %mul3A_56 : vector<16xi32>
    %jit3A_58 = arith.constant 0 : i32
    %broadcast_in_dim3A_59 = vector.broadcast %jit3A_58 : i32 to vector<16xi32>
    %select_n3A_60 = arith.select %lt3A_18, %get3A_13, %broadcast_in_dim3A_59 : vector<16xi1>, vector<16xi32>
    %add3A_61 = arith.addi %add3A_57, %select_n3A_60 : vector<16xi32>
    %swap3A_62 = arith.constant 1 : i32
    %swap3A_63 = arith.index_cast %swap3A_62 : i32 to index
    %swap3A_64 = arith.constant 0 : index
    %swap3A_65 = tpu.vector_load %arg16[%swap3A_63, %swap3A_64] {strides = array<i32>} : memref<2x128xi32, #tpu.memory_space<vmem>>, vector<1x16xi32>,
    %swap3A_66 = vector.shape_cast %swap3A_65 : vector<1x16xi32> to vector<16xi32>
    %swap3A_67 = vector.shape_cast %add3A_61 : vector<16xi32> to vector<1x16xi32>
    tpu.vector_store %arg16[%swap3A_63, %swap3A_64], %swap3A_67 {strides = array<i32>} : memref<2x128xi32, #tpu.memory_space<vmem>>, vector<1x16xi32>,
    %div3A = arith.divf %select_n3A, %max3A_30 : vector<16xf32>
    %swap3A_68 = arith.constant 0 : i32
    %swap3A_69 = arith.index_cast %swap3A_68 : i32 to index
    %swap3A_70 = arith.constant 0 : index
    %swap3A_71 = tpu.vector_load %arg17[%swap3A_69, %swap3A_70] {strides = array<i32>} : memref<2x128xf32, #tpu.memory_space<vmem>>, vector<1x16xf32>,
    %swap3A_72 = vector.shape_cast %swap3A_71 : vector<1x16xf32> to vector<16xf32>
    %swap3A_73 = vector.shape_cast %div3A : vector<16xf32> to vector<1x16xf32>
    tpu.vector_store %arg17[%swap3A_69, %swap3A_70], %swap3A_73 {strides = array<i32>} : memref<2x128xf32, #tpu.memory_space<vmem>>, vector<1x16xf32>,
    %div3A_74 = arith.divf %select_n3A_27, %max3A_30 : vector<16xf32>
    %swap3A_75 = arith.constant 1 : i32
    %swap3A_76 = arith.index_cast %swap3A_75 : i32 to index
    %swap3A_77 = arith.constant 0 : index
    %swap3A_78 = tpu.vector_load %arg17[%swap3A_76, %swap3A_77] {strides = array<i32>} : memref<2x128xf32, #tpu.memory_space<vmem>>, vector<1x16xf32>,
    %swap3A_79 = vector.shape_cast %swap3A_78 : vector<1x16xf32> to vector<16xf32>
    %swap3A_80 = vector.shape_cast %div3A_74 : vector<16xf32> to vector<1x16xf32>
    tpu.vector_store %arg17[%swap3A_76, %swap3A_77], %swap3A_80 {strides = array<i32>} : memref<2x128xf32, #tpu.memory_space<vmem>>, vector<1x16xf32>,
    %get3A_81 = arith.constant 16 : index
    %get3A_82 = tpu.vector_load %arg10[%get3A_81] {strides = array<i32>} : memref<128xi32, #tpu.memory_space<vmem>>, vector<16xi32>,
    %get3A_83 = vector.shape_cast %get3A_82 : vector<16xi32> to vector<16xi32>
    %get3A_84 = arith.constant 16 : index
    %get3A_85 = tpu.vector_load %arg11[%get3A_84] {strides = array<i32>} : memref<128xi32, #tpu.memory_space<vmem>>, vector<16xi32>,
    %get3A_86 = vector.shape_cast %get3A_85 : vector<16xi32> to vector<16xi32>
    %get3A_87 = arith.constant 16 : index
    %get3A_88 = tpu.vector_load %arg12[%get3A_87] {strides = array<i32>} : memref<128xi32, #tpu.memory_space<vmem>>, vector<16xi32>,
    %get3A_89 = vector.shape_cast %get3A_88 : vector<16xi32> to vector<16xi32>
    %get3A_90 = arith.constant 16 : index
    %get3A_91 = tpu.vector_load %arg13[%get3A_90] {strides = array<i32>} : memref<128xi32, #tpu.memory_space<vmem>>, vector<16xi32>,
    %get3A_92 = vector.shape_cast %get3A_91 : vector<16xi32> to vector<16xi32>
    %lt3A_93 = arith.constant 128 : i32
    %lt3A_94 = vector.broadcast %lt3A_93 : i32 to vector<16xi32>
    %lt3A_95 = arith.cmpi slt, %get3A_89, %lt3A_94 : vector<16xi32>
    %lt3A_96 = arith.constant 128 : i32
    %lt3A_97 = vector.broadcast %lt3A_96 : i32 to vector<16xi32>
    %lt3A_98 = arith.cmpi slt, %get3A_92, %lt3A_97 : vector<16xi32>
    %get3A_99 = arith.constant 16 : index
    %get3A_100 = tpu.vector_load %arg14[%get3A_99] {strides = array<i32>} : memref<128xf32, #tpu.memory_space<vmem>>, vector<16xf32>,
    %get3A_101 = vector.shape_cast %get3A_100 : vector<16xf32> to vector<16xf32>
    %jit3A_102 = arith.constant 0.000000e+00 : f32
    %broadcast_in_dim3A_103 = vector.broadcast %jit3A_102 : f32 to vector<16xf32>
    %select_n3A_104 = arith.select %lt3A_95, %get3A_101, %broadcast_in_dim3A_103 : vector<16xi1>, vector<16xf32>
    %get3A_105 = arith.constant 16 : index
    %get3A_106 = tpu.vector_load %arg15[%get3A_105] {strides = array<i32>} : memref<128xf32, #tpu.memory_space<vmem>>, vector<16xf32>,
    %get3A_107 = vector.shape_cast %get3A_106 : vector<16xf32> to vector<16xf32>
    %jit3A_108 = arith.constant 0.000000e+00 : f32
    %broadcast_in_dim3A_109 = vector.broadcast %jit3A_108 : f32 to vector<16xf32>
    %select_n3A_110 = arith.select %lt3A_98, %get3A_107, %broadcast_in_dim3A_109 : vector<16xi1>, vector<16xf32>
    %add3A_111 = arith.addf %select_n3A_104, %select_n3A_110 : vector<16xf32>
    %max3A_112 = arith.constant 1.1920929E-7 : f32
    %max3A_113 = vector.broadcast %max3A_112 : f32 to vector<16xf32>
    %max3A_114 = arith.maximumf %add3A_111, %max3A_113 : vector<16xf32>
    %add3A_115 = arith.constant 16 : i32
    %add3A_116 = arith.addi %mul3A_2, %add3A_115 : i32
    %iota3A_117 = tpu.iota {dimensions = array<i32: 0>} : vector<16xi32>
    %add3A_118 = vector.broadcast %add3A_116 : i32 to vector<16xi32>
    %add3A_119 = arith.addi %add3A_118, %iota3A_117 : vector<16xi32>
    %mul3A_120 = arith.constant 8192 : i32
    %mul3A_121 = vector.broadcast %mul3A_120 : i32 to vector<16xi32>
    %mul3A_122 = arith.muli %add3A_119, %mul3A_121 : vector<16xi32>
    %mul3A_123 = arith.constant 128 : i32
    %mul3A_124 = vector.broadcast %mul3A_123 : i32 to vector<16xi32>
    %mul3A_125 = arith.muli %get3A_83, %mul3A_124 : vector<16xi32>
    %add3A_126 = arith.addi %mul3A_122, %mul3A_125 : vector<16xi32>
    %jit3A_127 = arith.constant 0 : i32
    %broadcast_in_dim3A_128 = vector.broadcast %jit3A_127 : i32 to vector<16xi32>
    %select_n3A_129 = arith.select %lt3A_95, %get3A_89, %broadcast_in_dim3A_128 : vector<16xi1>, vector<16xi32>
    %add3A_130 = arith.addi %add3A_126, %select_n3A_129 : vector<16xi32>
    %swap3A_131 = arith.constant 0 : i32
    %swap3A_132 = arith.index_cast %swap3A_131 : i32 to index
    %swap3A_133 = arith.constant 16 : index
    %swap3A_134 = tpu.vector_load %arg16[%swap3A_132, %swap3A_133] {strides = array<i32>} : memref<2x128xi32, #tpu.memory_space<vmem>>, vector<1x16xi32>,
    %swap3A_135 = vector.shape_cast %swap3A_134 : vector<1x16xi32> to vector<16xi32>
    %swap3A_136 = vector.shape_cast %add3A_130 : vector<16xi32> to vector<1x16xi32>
    tpu.vector_store %arg16[%swap3A_132, %swap3A_133], %swap3A_136 {strides = array<i32>} : memref<2x128xi32, #tpu.memory_space<vmem>>, vector<1x16xi32>,
    %mul3A_137 = arith.constant 8192 : i32
    %mul3A_138 = vector.broadcast %mul3A_137 : i32 to vector<16xi32>
    %mul3A_139 = arith.muli %add3A_119, %mul3A_138 : vector<16xi32>
    %mul3A_140 = arith.constant 128 : i32
    %mul3A_141 = vector.broadcast %mul3A_140 : i32 to vector<16xi32>
    %mul3A_142 = arith.muli %get3A_86, %mul3A_141 : vector<16xi32>
    %add3A_143 = arith.addi %mul3A_139, %mul3A_142 : vector<16xi32>
    %jit3A_144 = arith.constant 0 : i32
    %broadcast_in_dim3A_145 = vector.broadcast %jit3A_144 : i32 to vector<16xi32>
    %select_n3A_146 = arith.select %lt3A_98, %get3A_92, %broadcast_in_dim3A_145 : vector<16xi1>, vector<16xi32>
    %add3A_147 = arith.addi %add3A_143, %select_n3A_146 : vector<16xi32>
    %swap3A_148 = arith.constant 1 : i32
    %swap3A_149 = arith.index_cast %swap3A_148 : i32 to index
    %swap3A_150 = arith.constant 16 : index
    %swap3A_151 = tpu.vector_load %arg16[%swap3A_149, %swap3A_150] {strides = array<i32>} : memref<2x128xi32, #tpu.memory_space<vmem>>, vector<1x16xi32>,
    %swap3A_152 = vector.shape_cast %swap3A_151 : vector<1x16xi32> to vector<16xi32>
    %swap3A_153 = vector.shape_cast %add3A_147 : vector<16xi32> to vector<1x16xi32>
    tpu.vector_store %arg16[%swap3A_149, %swap3A_150], %swap3A_153 {strides = array<i32>} : memref<2x128xi32, #tpu.memory_space<vmem>>, vector<1x16xi32>,
    %div3A_154 = arith.divf %select_n3A_104, %max3A_114 : vector<16xf32>
    %swap3A_155 = arith.constant 0 : i32
    %swap3A_156 = arith.index_cast %swap3A_155 : i32 to index
    %swap3A_157 = arith.constant 16 : index
    %swap3A_158 = tpu.vector_load %arg17[%swap3A_156, %swap3A_157] {strides = array<i32>} : memref<2x128xf32, #tpu.memory_space<vmem>>, vector<1x16xf32>,
    %swap3A_159 = vector.shape_cast %swap3A_158 : vector<1x16xf32> to vector<16xf32>
    %swap3A_160 = vector.shape_cast %div3A_154 : vector<16xf32> to vector<1x16xf32>
    tpu.vector_store %arg17[%swap3A_156, %swap3A_157], %swap3A_160 {strides = array<i32>} : memref<2x128xf32, #tpu.memory_space<vmem>>, vector<1x16xf32>,
    %div3A_161 = arith.divf %select_n3A_110, %max3A_114 : vector<16xf32>
    %swap3A_162 = arith.constant 1 : i32
    %swap3A_163 = arith.index_cast %swap3A_162 : i32 to index
    %swap3A_164 = arith.constant 16 : index
    %swap3A_165 = tpu.vector_load %arg17[%swap3A_163, %swap3A_164] {strides = array<i32>} : memref<2x128xf32, #tpu.memory_space<vmem>>, vector<1x16xf32>,
    %swap3A_166 = vector.shape_cast %swap3A_165 : vector<1x16xf32> to vector<16xf32>
    %swap3A_167 = vector.shape_cast %div3A_161 : vector<16xf32> to vector<1x16xf32>
    tpu.vector_store %arg17[%swap3A_163, %swap3A_164], %swap3A_167 {strides = array<i32>} : memref<2x128xf32, #tpu.memory_space<vmem>>, vector<1x16xf32>,
    %get3A_168 = arith.constant 32 : index
    %get3A_169 = tpu.vector_load %arg10[%get3A_168] {strides = array<i32>} : memref<128xi32, #tpu.memory_space<vmem>>, vector<16xi32>,
    %get3A_170 = vector.shape_cast %get3A_169 : vector<16xi32> to vector<16xi32>
    %get3A_171 = arith.constant 32 : index
    %get3A_172 = tpu.vector_load %arg11[%get3A_171] {strides = array<i32>} : memref<128xi32, #tpu.memory_space<vmem>>, vector<16xi32>,
    %get3A_173 = vector.shape_cast %get3A_172 : vector<16xi32> to vector<16xi32>
    %get3A_174 = arith.constant 32 : index
    %get3A_175 = tpu.vector_load %arg12[%get3A_174] {strides = array<i32>} : memref<128xi32, #tpu.memory_space<vmem>>, vector<16xi32>,
    %get3A_176 = vector.shape_cast %get3A_175 : vector<16xi32> to vector<16xi32>
    %get3A_177 = arith.constant 32 : index
    %get3A_178 = tpu.vector_load %arg13[%get3A_177] {strides = array<i32>} : memref<128xi32, #tpu.memory_space<vmem>>, vector<16xi32>,
    %get3A_179 = vector.shape_cast %get3A_178 : vector<16xi32> to vector<16xi32>
    %lt3A_180 = arith.constant 128 : i32
    %lt3A_181 = vector.broadcast %lt3A_180 : i32 to vector<16xi32>
    %lt3A_182 = arith.cmpi slt, %get3A_176, %lt3A_181 : vector<16xi32>
    %lt3A_183 = arith.constant 128 : i32
    %lt3A_184 = vector.broadcast %lt3A_183 : i32 to vector<16xi32>
    %lt3A_185 = arith.cmpi slt, %get3A_179, %lt3A_184 : vector<16xi32>
    %get3A_186 = arith.constant 32 : index
    %get3A_187 = tpu.vector_load %arg14[%get3A_186] {strides = array<i32>} : memref<128xf32, #tpu.memory_space<vmem>>, vector<16xf32>,
    %get3A_188 = vector.shape_cast %get3A_187 : vector<16xf32> to vector<16xf32>
    %jit3A_189 = arith.constant 0.000000e+00 : f32
    %broadcast_in_dim3A_190 = vector.broadcast %jit3A_189 : f32 to vector<16xf32>
    %select_n3A_191 = arith.select %lt3A_182, %get3A_188, %broadcast_in_dim3A_190 : vector<16xi1>, vector<16xf32>
    %get3A_192 = arith.constant 32 : index
    %get3A_193 = tpu.vector_load %arg15[%get3A_192] {strides = array<i32>} : memref<128xf32, #tpu.memory_space<vmem>>, vector<16xf32>,
    %get3A_194 = vector.shape_cast %get3A_193 : vector<16xf32> to vector<16xf32>
    %jit3A_195 = arith.constant 0.000000e+00 : f32
    %broadcast_in_dim3A_196 = vector.broadcast %jit3A_195 : f32 to vector<16xf32>
    %select_n3A_197 = arith.select %lt3A_185, %get3A_194, %broadcast_in_dim3A_196 : vector<16xi1>, vector<16xf32>
    %add3A_198 = arith.addf %select_n3A_191, %select_n3A_197 : vector<16xf32>
    %max3A_199 = arith.constant 1.1920929E-7 : f32
    %max3A_200 = vector.broadcast %max3A_199 : f32 to vector<16xf32>
    %max3A_201 = arith.maximumf %add3A_198, %max3A_200 : vector<16xf32>
    %add3A_202 = arith.constant 32 : i32
    %add3A_203 = arith.addi %mul3A_2, %add3A_202 : i32
    %iota3A_204 = tpu.iota {dimensions = array<i32: 0>} : vector<16xi32>
    %add3A_205 = vector.broadcast %add3A_203 : i32 to vector<16xi32>
    %add3A_206 = arith.addi %add3A_205, %iota3A_204 : vector<16xi32>
    %mul3A_207 = arith.constant 8192 : i32
    %mul3A_208 = vector.broadcast %mul3A_207 : i32 to vector<16xi32>
    %mul3A_209 = arith.muli %add3A_206, %mul3A_208 : vector<16xi32>
    %mul3A_210 = arith.constant 128 : i32
    %mul3A_211 = vector.broadcast %mul3A_210 : i32 to vector<16xi32>
    %mul3A_212 = arith.muli %get3A_170, %mul3A_211 : vector<16xi32>
    %add3A_213 = arith.addi %mul3A_209, %mul3A_212 : vector<16xi32>
    %jit3A_214 = arith.constant 0 : i32
    %broadcast_in_dim3A_215 = vector.broadcast %jit3A_214 : i32 to vector<16xi32>
    %select_n3A_216 = arith.select %lt3A_182, %get3A_176, %broadcast_in_dim3A_215 : vector<16xi1>, vector<16xi32>
    %add3A_217 = arith.addi %add3A_213, %select_n3A_216 : vector<16xi32>
    %swap3A_218 = arith.constant 0 : i32
    %swap3A_219 = arith.index_cast %swap3A_218 : i32 to index
    %swap3A_220 = arith.constant 32 : index
    %swap3A_221 = tpu.vector_load %arg16[%swap3A_219, %swap3A_220] {strides = array<i32>} : memref<2x128xi32, #tpu.memory_space<vmem>>, vector<1x16xi32>,
    %swap3A_222 = vector.shape_cast %swap3A_221 : vector<1x16xi32> to vector<16xi32>
    %swap3A_223 = vector.shape_cast %add3A_217 : vector<16xi32> to vector<1x16xi32>
    tpu.vector_store %arg16[%swap3A_219, %swap3A_220], %swap3A_223 {strides = array<i32>} : memref<2x128xi32, #tpu.memory_space<vmem>>, vector<1x16xi32>,
    %mul3A_224 = arith.constant 8192 : i32
    %mul3A_225 = vector.broadcast %mul3A_224 : i32 to vector<16xi32>
    %mul3A_226 = arith.muli %add3A_206, %mul3A_225 : vector<16xi32>
    %mul3A_227 = arith.constant 128 : i32
    %mul3A_228 = vector.broadcast %mul3A_227 : i32 to vector<16xi32>
    %mul3A_229 = arith.muli %get3A_173, %mul3A_228 : vector<16xi32>
    %add3A_230 = arith.addi %mul3A_226, %mul3A_229 : vector<16xi32>
    %jit3A_231 = arith.constant 0 : i32
    %broadcast_in_dim3A_232 = vector.broadcast %jit3A_231 : i32 to vector<16xi32>
    %select_n3A_233 = arith.select %lt3A_185, %get3A_179, %broadcast_in_dim3A_232 : vector<16xi1>, vector<16xi32>
    %add3A_234 = arith.addi %add3A_230, %select_n3A_233 : vector<16xi32>
    %swap3A_235 = arith.constant 1 : i32
    %swap3A_236 = arith.index_cast %swap3A_235 : i32 to index
    %swap3A_237 = arith.constant 32 : index
    %swap3A_238 = tpu.vector_load %arg16[%swap3A_236, %swap3A_237] {strides = array<i32>} : memref<2x128xi32, #tpu.memory_space<vmem>>, vector<1x16xi32>,
    %swap3A_239 = vector.shape_cast %swap3A_238 : vector<1x16xi32> to vector<16xi32>
    %swap3A_240 = vector.shape_cast %add3A_234 : vector<16xi32> to vector<1x16xi32>
    tpu.vector_store %arg16[%swap3A_236, %swap3A_237], %swap3A_240 {strides = array<i32>} : memref<2x128xi32, #tpu.memory_space<vmem>>, vector<1x16xi32>,
    %div3A_241 = arith.divf %select_n3A_191, %max3A_201 : vector<16xf32>
    %swap3A_242 = arith.constant 0 : i32
    %swap3A_243 = arith.index_cast %swap3A_242 : i32 to index
    %swap3A_244 = arith.constant 32 : index
    %swap3A_245 = tpu.vector_load %arg17[%swap3A_243, %swap3A_244] {strides = array<i32>} : memref<2x128xf32, #tpu.memory_space<vmem>>, vector<1x16xf32>,
    %swap3A_246 = vector.shape_cast %swap3A_245 : vector<1x16xf32> to vector<16xf32>
    %swap3A_247 = vector.shape_cast %div3A_241 : vector<16xf32> to vector<1x16xf32>
    tpu.vector_store %arg17[%swap3A_243, %swap3A_244], %swap3A_247 {strides = array<i32>} : memref<2x128xf32, #tpu.memory_space<vmem>>, vector<1x16xf32>,
    %div3A_248 = arith.divf %select_n3A_197, %max3A_201 : vector<16xf32>
    %swap3A_249 = arith.constant 1 : i32
    %swap3A_250 = arith.index_cast %swap3A_249 : i32 to index
    %swap3A_251 = arith.constant 32 : index
    %swap3A_252 = tpu.vector_load %arg17[%swap3A_250, %swap3A_251] {strides = array<i32>} : memref<2x128xf32, #tpu.memory_space<vmem>>, vector<1x16xf32>,
    %swap3A_253 = vector.shape_cast %swap3A_252 : vector<1x16xf32> to vector<16xf32>
    %swap3A_254 = vector.shape_cast %div3A_248 : vector<16xf32> to vector<1x16xf32>
    tpu.vector_store %arg17[%swap3A_250, %swap3A_251], %swap3A_254 {strides = array<i32>} : memref<2x128xf32, #tpu.memory_space<vmem>>, vector<1x16xf32>,
    %get3A_255 = arith.constant 48 : index
    %get3A_256 = tpu.vector_load %arg10[%get3A_255] {strides = array<i32>} : memref<128xi32, #tpu.memory_space<vmem>>, vector<16xi32>,
    %get3A_257 = vector.shape_cast %get3A_256 : vector<16xi32> to vector<16xi32>
    %get3A_258 = arith.constant 48 : index
    %get3A_259 = tpu.vector_load %arg11[%get3A_258] {strides = array<i32>} : memref<128xi32, #tpu.memory_space<vmem>>, vector<16xi32>,
    %get3A_260 = vector.shape_cast %get3A_259 : vector<16xi32> to vector<16xi32>
    %get3A_261 = arith.constant 48 : index
    %get3A_262 = tpu.vector_load %arg12[%get3A_261] {strides = array<i32>} : memref<128xi32, #tpu.memory_space<vmem>>, vector<16xi32>,
    %get3A_263 = vector.shape_cast %get3A_262 : vector<16xi32> to vector<16xi32>
    %get3A_264 = arith.constant 48 : index
    %get3A_265 = tpu.vector_load %arg13[%get3A_264] {strides = array<i32>} : memref<128xi32, #tpu.memory_space<vmem>>, vector<16xi32>,
    %get3A_266 = vector.shape_cast %get3A_265 : vector<16xi32> to vector<16xi32>
    %lt3A_267 = arith.constant 128 : i32
    %lt3A_268 = vector.broadcast %lt3A_267 : i32 to vector<16xi32>
    %lt3A_269 = arith.cmpi slt, %get3A_263, %lt3A_268 : vector<16xi32>
    %lt3A_270 = arith.constant 128 : i32
    %lt3A_271 = vector.broadcast %lt3A_270 : i32 to vector<16xi32>
    %lt3A_272 = arith.cmpi slt, %get3A_266, %lt3A_271 : vector<16xi32>
    %get3A_273 = arith.constant 48 : index
    %get3A_274 = tpu.vector_load %arg14[%get3A_273] {strides = array<i32>} : memref<128xf32, #tpu.memory_space<vmem>>, vector<16xf32>,
    %get3A_275 = vector.shape_cast %get3A_274 : vector<16xf32> to vector<16xf32>
    %jit3A_276 = arith.constant 0.000000e+00 : f32
    %broadcast_in_dim3A_277 = vector.broadcast %jit3A_276 : f32 to vector<16xf32>
    %select_n3A_278 = arith.select %lt3A_269, %get3A_275, %broadcast_in_dim3A_277 : vector<16xi1>, vector<16xf32>
    %get3A_279 = arith.constant 48 : index
    %get3A_280 = tpu.vector_load %arg15[%get3A_279] {strides = array<i32>} : memref<128xf32, #tpu.memory_space<vmem>>, vector<16xf32>,
    %get3A_281 = vector.shape_cast %get3A_280 : vector<16xf32> to vector<16xf32>
    %jit3A_282 = arith.constant 0.000000e+00 : f32
    %broadcast_in_dim3A_283 = vector.broadcast %jit3A_282 : f32 to vector<16xf32>
    %select_n3A_284 = arith.select %lt3A_272, %get3A_281, %broadcast_in_dim3A_283 : vector<16xi1>, vector<16xf32>
    %add3A_285 = arith.addf %select_n3A_278, %select_n3A_284 : vector<16xf32>
    %max3A_286 = arith.constant 1.1920929E-7 : f32
    %max3A_287 = vector.broadcast %max3A_286 : f32 to vector<16xf32>
    %max3A_288 = arith.maximumf %add3A_285, %max3A_287 : vector<16xf32>
    %add3A_289 = arith.constant 48 : i32
    %add3A_290 = arith.addi %mul3A_2, %add3A_289 : i32
    %iota3A_291 = tpu.iota {dimensions = array<i32: 0>} : vector<16xi32>
    %add3A_292 = vector.broadcast %add3A_290 : i32 to vector<16xi32>
    %add3A_293 = arith.addi %add3A_292, %iota3A_291 : vector<16xi32>
    %mul3A_294 = arith.constant 8192 : i32
    %mul3A_295 = vector.broadcast %mul3A_294 : i32 to vector<16xi32>
    %mul3A_296 = arith.muli %add3A_293, %mul3A_295 : vector<16xi32>
    %mul3A_297 = arith.constant 128 : i32
    %mul3A_298 = vector.broadcast %mul3A_297 : i32 to vector<16xi32>
    %mul3A_299 = arith.muli %get3A_257, %mul3A_298 : vector<16xi32>
    %add3A_300 = arith.addi %mul3A_296, %mul3A_299 : vector<16xi32>
    %jit3A_301 = arith.constant 0 : i32
    %broadcast_in_dim3A_302 = vector.broadcast %jit3A_301 : i32 to vector<16xi32>
    %select_n3A_303 = arith.select %lt3A_269, %get3A_263, %broadcast_in_dim3A_302 : vector<16xi1>, vector<16xi32>
    %add3A_304 = arith.addi %add3A_300, %select_n3A_303 : vector<16xi32>
    %swap3A_305 = arith.constant 0 : i32
    %swap3A_306 = arith.index_cast %swap3A_305 : i32 to index
    %swap3A_307 = arith.constant 48 : index
    %swap3A_308 = tpu.vector_load %arg16[%swap3A_306, %swap3A_307] {strides = array<i32>} : memref<2x128xi32, #tpu.memory_space<vmem>>, vector<1x16xi32>,
    %swap3A_309 = vector.shape_cast %swap3A_308 : vector<1x16xi32> to vector<16xi32>
    %swap3A_310 = vector.shape_cast %add3A_304 : vector<16xi32> to vector<1x16xi32>
    tpu.vector_store %arg16[%swap3A_306, %swap3A_307], %swap3A_310 {strides = array<i32>} : memref<2x128xi32, #tpu.memory_space<vmem>>, vector<1x16xi32>,
    %mul3A_311 = arith.constant 8192 : i32
    %mul3A_312 = vector.broadcast %mul3A_311 : i32 to vector<16xi32>
    %mul3A_313 = arith.muli %add3A_293, %mul3A_312 : vector<16xi32>
    %mul3A_314 = arith.constant 128 : i32
    %mul3A_315 = vector.broadcast %mul3A_314 : i32 to vector<16xi32>
    %mul3A_316 = arith.muli %get3A_260, %mul3A_315 : vector<16xi32>
    %add3A_317 = arith.addi %mul3A_313, %mul3A_316 : vector<16xi32>
    %jit3A_318 = arith.constant 0 : i32
    %broadcast_in_dim3A_319 = vector.broadcast %jit3A_318 : i32 to vector<16xi32>
    %select_n3A_320 = arith.select %lt3A_272, %get3A_266, %broadcast_in_dim3A_319 : vector<16xi1>, vector<16xi32>
    %add3A_321 = arith.addi %add3A_317, %select_n3A_320 : vector<16xi32>
    %swap3A_322 = arith.constant 1 : i32
    %swap3A_323 = arith.index_cast %swap3A_322 : i32 to index
    %swap3A_324 = arith.constant 48 : index
    %swap3A_325 = tpu.vector_load %arg16[%swap3A_323, %swap3A_324] {strides = array<i32>} : memref<2x128xi32, #tpu.memory_space<vmem>>, vector<1x16xi32>,
    %swap3A_326 = vector.shape_cast %swap3A_325 : vector<1x16xi32> to vector<16xi32>
    %swap3A_327 = vector.shape_cast %add3A_321 : vector<16xi32> to vector<1x16xi32>
    tpu.vector_store %arg16[%swap3A_323, %swap3A_324], %swap3A_327 {strides = array<i32>} : memref<2x128xi32, #tpu.memory_space<vmem>>, vector<1x16xi32>,
    %div3A_328 = arith.divf %select_n3A_278, %max3A_288 : vector<16xf32>
    %swap3A_329 = arith.constant 0 : i32
    %swap3A_330 = arith.index_cast %swap3A_329 : i32 to index
    %swap3A_331 = arith.constant 48 : index
    %swap3A_332 = tpu.vector_load %arg17[%swap3A_330, %swap3A_331] {strides = array<i32>} : memref<2x128xf32, #tpu.memory_space<vmem>>, vector<1x16xf32>,
    %swap3A_333 = vector.shape_cast %swap3A_332 : vector<1x16xf32> to vector<16xf32>
    %swap3A_334 = vector.shape_cast %div3A_328 : vector<16xf32> to vector<1x16xf32>
    tpu.vector_store %arg17[%swap3A_330, %swap3A_331], %swap3A_334 {strides = array<i32>} : memref<2x128xf32, #tpu.memory_space<vmem>>, vector<1x16xf32>,
    %div3A_335 = arith.divf %select_n3A_284, %max3A_288 : vector<16xf32>
    %swap3A_336 = arith.constant 1 : i32
    %swap3A_337 = arith.index_cast %swap3A_336 : i32 to index
    %swap3A_338 = arith.constant 48 : index
    %swap3A_339 = tpu.vector_load %arg17[%swap3A_337, %swap3A_338] {strides = array<i32>} : memref<2x128xf32, #tpu.memory_space<vmem>>, vector<1x16xf32>,
    %swap3A_340 = vector.shape_cast %swap3A_339 : vector<1x16xf32> to vector<16xf32>
    %swap3A_341 = vector.shape_cast %div3A_335 : vector<16xf32> to vector<1x16xf32>
    tpu.vector_store %arg17[%swap3A_337, %swap3A_338], %swap3A_341 {strides = array<i32>} : memref<2x128xf32, #tpu.memory_space<vmem>>, vector<1x16xf32>,
    %get3A_342 = arith.constant 64 : index
    %get3A_343 = tpu.vector_load %arg10[%get3A_342] {strides = array<i32>} : memref<128xi32, #tpu.memory_space<vmem>>, vector<16xi32>,
    %get3A_344 = vector.shape_cast %get3A_343 : vector<16xi32> to vector<16xi32>
    %get3A_345 = arith.constant 64 : index
    %get3A_346 = tpu.vector_load %arg11[%get3A_345] {strides = array<i32>} : memref<128xi32, #tpu.memory_space<vmem>>, vector<16xi32>,
    %get3A_347 = vector.shape_cast %get3A_346 : vector<16xi32> to vector<16xi32>
    %get3A_348 = arith.constant 64 : index
    %get3A_349 = tpu.vector_load %arg12[%get3A_348] {strides = array<i32>} : memref<128xi32, #tpu.memory_space<vmem>>, vector<16xi32>,
    %get3A_350 = vector.shape_cast %get3A_349 : vector<16xi32> to vector<16xi32>
    %get3A_351 = arith.constant 64 : index
    %get3A_352 = tpu.vector_load %arg13[%get3A_351] {strides = array<i32>} : memref<128xi32, #tpu.memory_space<vmem>>, vector<16xi32>,
    %get3A_353 = vector.shape_cast %get3A_352 : vector<16xi32> to vector<16xi32>
    %lt3A_354 = arith.constant 128 : i32
    %lt3A_355 = vector.broadcast %lt3A_354 : i32 to vector<16xi32>
    %lt3A_356 = arith.cmpi slt, %get3A_350, %lt3A_355 : vector<16xi32>
    %lt3A_357 = arith.constant 128 : i32
    %lt3A_358 = vector.broadcast %lt3A_357 : i32 to vector<16xi32>
    %lt3A_359 = arith.cmpi slt, %get3A_353, %lt3A_358 : vector<16xi32>
    %get3A_360 = arith.constant 64 : index
    %get3A_361 = tpu.vector_load %arg14[%get3A_360] {strides = array<i32>} : memref<128xf32, #tpu.memory_space<vmem>>, vector<16xf32>,
    %get3A_362 = vector.shape_cast %get3A_361 : vector<16xf32> to vector<16xf32>
    %jit3A_363 = arith.constant 0.000000e+00 : f32
    %broadcast_in_dim3A_364 = vector.broadcast %jit3A_363 : f32 to vector<16xf32>
    %select_n3A_365 = arith.select %lt3A_356, %get3A_362, %broadcast_in_dim3A_364 : vector<16xi1>, vector<16xf32>
    %get3A_366 = arith.constant 64 : index
    %get3A_367 = tpu.vector_load %arg15[%get3A_366] {strides = array<i32>} : memref<128xf32, #tpu.memory_space<vmem>>, vector<16xf32>,
    %get3A_368 = vector.shape_cast %get3A_367 : vector<16xf32> to vector<16xf32>
    %jit3A_369 = arith.constant 0.000000e+00 : f32
    %broadcast_in_dim3A_370 = vector.broadcast %jit3A_369 : f32 to vector<16xf32>
    %select_n3A_371 = arith.select %lt3A_359, %get3A_368, %broadcast_in_dim3A_370 : vector<16xi1>, vector<16xf32>
    %add3A_372 = arith.addf %select_n3A_365, %select_n3A_371 : vector<16xf32>
    %max3A_373 = arith.constant 1.1920929E-7 : f32
    %max3A_374 = vector.broadcast %max3A_373 : f32 to vector<16xf32>
    %max3A_375 = arith.maximumf %add3A_372, %max3A_374 : vector<16xf32>
    %add3A_376 = arith.constant 64 : i32
    %add3A_377 = arith.addi %mul3A_2, %add3A_376 : i32
    %iota3A_378 = tpu.iota {dimensions = array<i32: 0>} : vector<16xi32>
    %add3A_379 = vector.broadcast %add3A_377 : i32 to vector<16xi32>
    %add3A_380 = arith.addi %add3A_379, %iota3A_378 : vector<16xi32>
    %mul3A_381 = arith.constant 8192 : i32
    %mul3A_382 = vector.broadcast %mul3A_381 : i32 to vector<16xi32>
    %mul3A_383 = arith.muli %add3A_380, %mul3A_382 : vector<16xi32>
    %mul3A_384 = arith.constant 128 : i32
    %mul3A_385 = vector.broadcast %mul3A_384 : i32 to vector<16xi32>
    %mul3A_386 = arith.muli %get3A_344, %mul3A_385 : vector<16xi32>
    %add3A_387 = arith.addi %mul3A_383, %mul3A_386 : vector<16xi32>
    %jit3A_388 = arith.constant 0 : i32
    %broadcast_in_dim3A_389 = vector.broadcast %jit3A_388 : i32 to vector<16xi32>
    %select_n3A_390 = arith.select %lt3A_356, %get3A_350, %broadcast_in_dim3A_389 : vector<16xi1>, vector<16xi32>
    %add3A_391 = arith.addi %add3A_387, %select_n3A_390 : vector<16xi32>
    %swap3A_392 = arith.constant 0 : i32
    %swap3A_393 = arith.index_cast %swap3A_392 : i32 to index
    %swap3A_394 = arith.constant 64 : index
    %swap3A_395 = tpu.vector_load %arg16[%swap3A_393, %swap3A_394] {strides = array<i32>} : memref<2x128xi32, #tpu.memory_space<vmem>>, vector<1x16xi32>,
    %swap3A_396 = vector.shape_cast %swap3A_395 : vector<1x16xi32> to vector<16xi32>
    %swap3A_397 = vector.shape_cast %add3A_391 : vector<16xi32> to vector<1x16xi32>
    tpu.vector_store %arg16[%swap3A_393, %swap3A_394], %swap3A_397 {strides = array<i32>} : memref<2x128xi32, #tpu.memory_space<vmem>>, vector<1x16xi32>,
    %mul3A_398 = arith.constant 8192 : i32
    %mul3A_399 = vector.broadcast %mul3A_398 : i32 to vector<16xi32>
    %mul3A_400 = arith.muli %add3A_380, %mul3A_399 : vector<16xi32>
    %mul3A_401 = arith.constant 128 : i32
    %mul3A_402 = vector.broadcast %mul3A_401 : i32 to vector<16xi32>
    %mul3A_403 = arith.muli %get3A_347, %mul3A_402 : vector<16xi32>
    %add3A_404 = arith.addi %mul3A_400, %mul3A_403 : vector<16xi32>
    %jit3A_405 = arith.constant 0 : i32
    %broadcast_in_dim3A_406 = vector.broadcast %jit3A_405 : i32 to vector<16xi32>
    %select_n3A_407 = arith.select %lt3A_359, %get3A_353, %broadcast_in_dim3A_406 : vector<16xi1>, vector<16xi32>
    %add3A_408 = arith.addi %add3A_404, %select_n3A_407 : vector<16xi32>
    %swap3A_409 = arith.constant 1 : i32
    %swap3A_410 = arith.index_cast %swap3A_409 : i32 to index
    %swap3A_411 = arith.constant 64 : index
    %swap3A_412 = tpu.vector_load %arg16[%swap3A_410, %swap3A_411] {strides = array<i32>} : memref<2x128xi32, #tpu.memory_space<vmem>>, vector<1x16xi32>,
    %swap3A_413 = vector.shape_cast %swap3A_412 : vector<1x16xi32> to vector<16xi32>
    %swap3A_414 = vector.shape_cast %add3A_408 : vector<16xi32> to vector<1x16xi32>
    tpu.vector_store %arg16[%swap3A_410, %swap3A_411], %swap3A_414 {strides = array<i32>} : memref<2x128xi32, #tpu.memory_space<vmem>>, vector<1x16xi32>,
    %div3A_415 = arith.divf %select_n3A_365, %max3A_375 : vector<16xf32>
    %swap3A_416 = arith.constant 0 : i32
    %swap3A_417 = arith.index_cast %swap3A_416 : i32 to index
    %swap3A_418 = arith.constant 64 : index
    %swap3A_419 = tpu.vector_load %arg17[%swap3A_417, %swap3A_418] {strides = array<i32>} : memref<2x128xf32, #tpu.memory_space<vmem>>, vector<1x16xf32>,
    %swap3A_420 = vector.shape_cast %swap3A_419 : vector<1x16xf32> to vector<16xf32>
    %swap3A_421 = vector.shape_cast %div3A_415 : vector<16xf32> to vector<1x16xf32>
    tpu.vector_store %arg17[%swap3A_417, %swap3A_418], %swap3A_421 {strides = array<i32>} : memref<2x128xf32, #tpu.memory_space<vmem>>, vector<1x16xf32>,
    %div3A_422 = arith.divf %select_n3A_371, %max3A_375 : vector<16xf32>
    %swap3A_423 = arith.constant 1 : i32
    %swap3A_424 = arith.index_cast %swap3A_423 : i32 to index
    %swap3A_425 = arith.constant 64 : index
    %swap3A_426 = tpu.vector_load %arg17[%swap3A_424, %swap3A_425] {strides = array<i32>} : memref<2x128xf32, #tpu.memory_space<vmem>>, vector<1x16xf32>,
    %swap3A_427 = vector.shape_cast %swap3A_426 : vector<1x16xf32> to vector<16xf32>
    %swap3A_428 = vector.shape_cast %div3A_422 : vector<16xf32> to vector<1x16xf32>
    tpu.vector_store %arg17[%swap3A_424, %swap3A_425], %swap3A_428 {strides = array<i32>} : memref<2x128xf32, #tpu.memory_space<vmem>>, vector<1x16xf32>,
    %get3A_429 = arith.constant 80 : index
    %get3A_430 = tpu.vector_load %arg10[%get3A_429] {strides = array<i32>} : memref<128xi32, #tpu.memory_space<vmem>>, vector<16xi32>,
    %get3A_431 = vector.shape_cast %get3A_430 : vector<16xi32> to vector<16xi32>
    %get3A_432 = arith.constant 80 : index
    %get3A_433 = tpu.vector_load %arg11[%get3A_432] {strides = array<i32>} : memref<128xi32, #tpu.memory_space<vmem>>, vector<16xi32>,
    %get3A_434 = vector.shape_cast %get3A_433 : vector<16xi32> to vector<16xi32>
    %get3A_435 = arith.constant 80 : index
    %get3A_436 = tpu.vector_load %arg12[%get3A_435] {strides = array<i32>} : memref<128xi32, #tpu.memory_space<vmem>>, vector<16xi32>,
    %get3A_437 = vector.shape_cast %get3A_436 : vector<16xi32> to vector<16xi32>
    %get3A_438 = arith.constant 80 : index
    %get3A_439 = tpu.vector_load %arg13[%get3A_438] {strides = array<i32>} : memref<128xi32, #tpu.memory_space<vmem>>, vector<16xi32>,
    %get3A_440 = vector.shape_cast %get3A_439 : vector<16xi32> to vector<16xi32>
    %lt3A_441 = arith.constant 128 : i32
    %lt3A_442 = vector.broadcast %lt3A_441 : i32 to vector<16xi32>
    %lt3A_443 = arith.cmpi slt, %get3A_437, %lt3A_442 : vector<16xi32>
    %lt3A_444 = arith.constant 128 : i32
    %lt3A_445 = vector.broadcast %lt3A_444 : i32 to vector<16xi32>
    %lt3A_446 = arith.cmpi slt, %get3A_440, %lt3A_445 : vector<16xi32>
    %get3A_447 = arith.constant 80 : index
    %get3A_448 = tpu.vector_load %arg14[%get3A_447] {strides = array<i32>} : memref<128xf32, #tpu.memory_space<vmem>>, vector<16xf32>,
    %get3A_449 = vector.shape_cast %get3A_448 : vector<16xf32> to vector<16xf32>
    %jit3A_450 = arith.constant 0.000000e+00 : f32
    %broadcast_in_dim3A_451 = vector.broadcast %jit3A_450 : f32 to vector<16xf32>
    %select_n3A_452 = arith.select %lt3A_443, %get3A_449, %broadcast_in_dim3A_451 : vector<16xi1>, vector<16xf32>
    %get3A_453 = arith.constant 80 : index
    %get3A_454 = tpu.vector_load %arg15[%get3A_453] {strides = array<i32>} : memref<128xf32, #tpu.memory_space<vmem>>, vector<16xf32>,
    %get3A_455 = vector.shape_cast %get3A_454 : vector<16xf32> to vector<16xf32>
    %jit3A_456 = arith.constant 0.000000e+00 : f32
    %broadcast_in_dim3A_457 = vector.broadcast %jit3A_456 : f32 to vector<16xf32>
    %select_n3A_458 = arith.select %lt3A_446, %get3A_455, %broadcast_in_dim3A_457 : vector<16xi1>, vector<16xf32>
    %add3A_459 = arith.addf %select_n3A_452, %select_n3A_458 : vector<16xf32>
    %max3A_460 = arith.constant 1.1920929E-7 : f32
    %max3A_461 = vector.broadcast %max3A_460 : f32 to vector<16xf32>
    %max3A_462 = arith.maximumf %add3A_459, %max3A_461 : vector<16xf32>
    %add3A_463 = arith.constant 80 : i32
    %add3A_464 = arith.addi %mul3A_2, %add3A_463 : i32
    %iota3A_465 = tpu.iota {dimensions = array<i32: 0>} : vector<16xi32>
    %add3A_466 = vector.broadcast %add3A_464 : i32 to vector<16xi32>
    %add3A_467 = arith.addi %add3A_466, %iota3A_465 : vector<16xi32>
    %mul3A_468 = arith.constant 8192 : i32
    %mul3A_469 = vector.broadcast %mul3A_468 : i32 to vector<16xi32>
    %mul3A_470 = arith.muli %add3A_467, %mul3A_469 : vector<16xi32>
    %mul3A_471 = arith.constant 128 : i32
    %mul3A_472 = vector.broadcast %mul3A_471 : i32 to vector<16xi32>
    %mul3A_473 = arith.muli %get3A_431, %mul3A_472 : vector<16xi32>
    %add3A_474 = arith.addi %mul3A_470, %mul3A_473 : vector<16xi32>
    %jit3A_475 = arith.constant 0 : i32
    %broadcast_in_dim3A_476 = vector.broadcast %jit3A_475 : i32 to vector<16xi32>
    %select_n3A_477 = arith.select %lt3A_443, %get3A_437, %broadcast_in_dim3A_476 : vector<16xi1>, vector<16xi32>
    %add3A_478 = arith.addi %add3A_474, %select_n3A_477 : vector<16xi32>
    %swap3A_479 = arith.constant 0 : i32
    %swap3A_480 = arith.index_cast %swap3A_479 : i32 to index
    %swap3A_481 = arith.constant 80 : index
    %swap3A_482 = tpu.vector_load %arg16[%swap3A_480, %swap3A_481] {strides = array<i32>} : memref<2x128xi32, #tpu.memory_space<vmem>>, vector<1x16xi32>,
    %swap3A_483 = vector.shape_cast %swap3A_482 : vector<1x16xi32> to vector<16xi32>
    %swap3A_484 = vector.shape_cast %add3A_478 : vector<16xi32> to vector<1x16xi32>
    tpu.vector_store %arg16[%swap3A_480, %swap3A_481], %swap3A_484 {strides = array<i32>} : memref<2x128xi32, #tpu.memory_space<vmem>>, vector<1x16xi32>,
    %mul3A_485 = arith.constant 8192 : i32
    %mul3A_486 = vector.broadcast %mul3A_485 : i32 to vector<16xi32>
    %mul3A_487 = arith.muli %add3A_467, %mul3A_486 : vector<16xi32>
    %mul3A_488 = arith.constant 128 : i32
    %mul3A_489 = vector.broadcast %mul3A_488 : i32 to vector<16xi32>
    %mul3A_490 = arith.muli %get3A_434, %mul3A_489 : vector<16xi32>
    %add3A_491 = arith.addi %mul3A_487, %mul3A_490 : vector<16xi32>
    %jit3A_492 = arith.constant 0 : i32
    %broadcast_in_dim3A_493 = vector.broadcast %jit3A_492 : i32 to vector<16xi32>
    %select_n3A_494 = arith.select %lt3A_446, %get3A_440, %broadcast_in_dim3A_493 : vector<16xi1>, vector<16xi32>
    %add3A_495 = arith.addi %add3A_491, %select_n3A_494 : vector<16xi32>
    %swap3A_496 = arith.constant 1 : i32
    %swap3A_497 = arith.index_cast %swap3A_496 : i32 to index
    %swap3A_498 = arith.constant 80 : index
    %swap3A_499 = tpu.vector_load %arg16[%swap3A_497, %swap3A_498] {strides = array<i32>} : memref<2x128xi32, #tpu.memory_space<vmem>>, vector<1x16xi32>,
    %swap3A_500 = vector.shape_cast %swap3A_499 : vector<1x16xi32> to vector<16xi32>
    %swap3A_501 = vector.shape_cast %add3A_495 : vector<16xi32> to vector<1x16xi32>
    tpu.vector_store %arg16[%swap3A_497, %swap3A_498], %swap3A_501 {strides = array<i32>} : memref<2x128xi32, #tpu.memory_space<vmem>>, vector<1x16xi32>,
    %div3A_502 = arith.divf %select_n3A_452, %max3A_462 : vector<16xf32>
    %swap3A_503 = arith.constant 0 : i32
    %swap3A_504 = arith.index_cast %swap3A_503 : i32 to index
    %swap3A_505 = arith.constant 80 : index
    %swap3A_506 = tpu.vector_load %arg17[%swap3A_504, %swap3A_505] {strides = array<i32>} : memref<2x128xf32, #tpu.memory_space<vmem>>, vector<1x16xf32>,
    %swap3A_507 = vector.shape_cast %swap3A_506 : vector<1x16xf32> to vector<16xf32>
    %swap3A_508 = vector.shape_cast %div3A_502 : vector<16xf32> to vector<1x16xf32>
    tpu.vector_store %arg17[%swap3A_504, %swap3A_505], %swap3A_508 {strides = array<i32>} : memref<2x128xf32, #tpu.memory_space<vmem>>, vector<1x16xf32>,
    %div3A_509 = arith.divf %select_n3A_458, %max3A_462 : vector<16xf32>
    %swap3A_510 = arith.constant 1 : i32
    %swap3A_511 = arith.index_cast %swap3A_510 : i32 to index
    %swap3A_512 = arith.constant 80 : index
    %swap3A_513 = tpu.vector_load %arg17[%swap3A_511, %swap3A_512] {strides = array<i32>} : memref<2x128xf32, #tpu.memory_space<vmem>>, vector<1x16xf32>,
    %swap3A_514 = vector.shape_cast %swap3A_513 : vector<1x16xf32> to vector<16xf32>
    %swap3A_515 = vector.shape_cast %div3A_509 : vector<16xf32> to vector<1x16xf32>
    tpu.vector_store %arg17[%swap3A_511, %swap3A_512], %swap3A_515 {strides = array<i32>} : memref<2x128xf32, #tpu.memory_space<vmem>>, vector<1x16xf32>,
    %get3A_516 = arith.constant 96 : index
    %get3A_517 = tpu.vector_load %arg10[%get3A_516] {strides = array<i32>} : memref<128xi32, #tpu.memory_space<vmem>>, vector<16xi32>,
    %get3A_518 = vector.shape_cast %get3A_517 : vector<16xi32> to vector<16xi32>
    %get3A_519 = arith.constant 96 : index
    %get3A_520 = tpu.vector_load %arg11[%get3A_519] {strides = array<i32>} : memref<128xi32, #tpu.memory_space<vmem>>, vector<16xi32>,
    %get3A_521 = vector.shape_cast %get3A_520 : vector<16xi32> to vector<16xi32>
    %get3A_522 = arith.constant 96 : index
    %get3A_523 = tpu.vector_load %arg12[%get3A_522] {strides = array<i32>} : memref<128xi32, #tpu.memory_space<vmem>>, vector<16xi32>,
    %get3A_524 = vector.shape_cast %get3A_523 : vector<16xi32> to vector<16xi32>
    %get3A_525 = arith.constant 96 : index
    %get3A_526 = tpu.vector_load %arg13[%get3A_525] {strides = array<i32>} : memref<128xi32, #tpu.memory_space<vmem>>, vector<16xi32>,
    %get3A_527 = vector.shape_cast %get3A_526 : vector<16xi32> to vector<16xi32>
    %lt3A_528 = arith.constant 128 : i32
    %lt3A_529 = vector.broadcast %lt3A_528 : i32 to vector<16xi32>
    %lt3A_530 = arith.cmpi slt, %get3A_524, %lt3A_529 : vector<16xi32>
    %lt3A_531 = arith.constant 128 : i32
    %lt3A_532 = vector.broadcast %lt3A_531 : i32 to vector<16xi32>
    %lt3A_533 = arith.cmpi slt, %get3A_527, %lt3A_532 : vector<16xi32>
    %get3A_534 = arith.constant 96 : index
    %get3A_535 = tpu.vector_load %arg14[%get3A_534] {strides = array<i32>} : memref<128xf32, #tpu.memory_space<vmem>>, vector<16xf32>,
    %get3A_536 = vector.shape_cast %get3A_535 : vector<16xf32> to vector<16xf32>
    %jit3A_537 = arith.constant 0.000000e+00 : f32
    %broadcast_in_dim3A_538 = vector.broadcast %jit3A_537 : f32 to vector<16xf32>
    %select_n3A_539 = arith.select %lt3A_530, %get3A_536, %broadcast_in_dim3A_538 : vector<16xi1>, vector<16xf32>
    %get3A_540 = arith.constant 96 : index
    %get3A_541 = tpu.vector_load %arg15[%get3A_540] {strides = array<i32>} : memref<128xf32, #tpu.memory_space<vmem>>, vector<16xf32>,
    %get3A_542 = vector.shape_cast %get3A_541 : vector<16xf32> to vector<16xf32>
    %jit3A_543 = arith.constant 0.000000e+00 : f32
    %broadcast_in_dim3A_544 = vector.broadcast %jit3A_543 : f32 to vector<16xf32>
    %select_n3A_545 = arith.select %lt3A_533, %get3A_542, %broadcast_in_dim3A_544 : vector<16xi1>, vector<16xf32>
    %add3A_546 = arith.addf %select_n3A_539, %select_n3A_545 : vector<16xf32>
    %max3A_547 = arith.constant 1.1920929E-7 : f32
    %max3A_548 = vector.broadcast %max3A_547 : f32 to vector<16xf32>
    %max3A_549 = arith.maximumf %add3A_546, %max3A_548 : vector<16xf32>
    %add3A_550 = arith.constant 96 : i32
    %add3A_551 = arith.addi %mul3A_2, %add3A_550 : i32
    %iota3A_552 = tpu.iota {dimensions = array<i32: 0>} : vector<16xi32>
    %add3A_553 = vector.broadcast %add3A_551 : i32 to vector<16xi32>
    %add3A_554 = arith.addi %add3A_553, %iota3A_552 : vector<16xi32>
    %mul3A_555 = arith.constant 8192 : i32
    %mul3A_556 = vector.broadcast %mul3A_555 : i32 to vector<16xi32>
    %mul3A_557 = arith.muli %add3A_554, %mul3A_556 : vector<16xi32>
    %mul3A_558 = arith.constant 128 : i32
    %mul3A_559 = vector.broadcast %mul3A_558 : i32 to vector<16xi32>
    %mul3A_560 = arith.muli %get3A_518, %mul3A_559 : vector<16xi32>
    %add3A_561 = arith.addi %mul3A_557, %mul3A_560 : vector<16xi32>
    %jit3A_562 = arith.constant 0 : i32
    %broadcast_in_dim3A_563 = vector.broadcast %jit3A_562 : i32 to vector<16xi32>
    %select_n3A_564 = arith.select %lt3A_530, %get3A_524, %broadcast_in_dim3A_563 : vector<16xi1>, vector<16xi32>
    %add3A_565 = arith.addi %add3A_561, %select_n3A_564 : vector<16xi32>
    %swap3A_566 = arith.constant 0 : i32
    %swap3A_567 = arith.index_cast %swap3A_566 : i32 to index
    %swap3A_568 = arith.constant 96 : index
    %swap3A_569 = tpu.vector_load %arg16[%swap3A_567, %swap3A_568] {strides = array<i32>} : memref<2x128xi32, #tpu.memory_space<vmem>>, vector<1x16xi32>,
    %swap3A_570 = vector.shape_cast %swap3A_569 : vector<1x16xi32> to vector<16xi32>
    %swap3A_571 = vector.shape_cast %add3A_565 : vector<16xi32> to vector<1x16xi32>
    tpu.vector_store %arg16[%swap3A_567, %swap3A_568], %swap3A_571 {strides = array<i32>} : memref<2x128xi32, #tpu.memory_space<vmem>>, vector<1x16xi32>,
    %mul3A_572 = arith.constant 8192 : i32
    %mul3A_573 = vector.broadcast %mul3A_572 : i32 to vector<16xi32>
    %mul3A_574 = arith.muli %add3A_554, %mul3A_573 : vector<16xi32>
    %mul3A_575 = arith.constant 128 : i32
    %mul3A_576 = vector.broadcast %mul3A_575 : i32 to vector<16xi32>
    %mul3A_577 = arith.muli %get3A_521, %mul3A_576 : vector<16xi32>
    %add3A_578 = arith.addi %mul3A_574, %mul3A_577 : vector<16xi32>
    %jit3A_579 = arith.constant 0 : i32
    %broadcast_in_dim3A_580 = vector.broadcast %jit3A_579 : i32 to vector<16xi32>
    %select_n3A_581 = arith.select %lt3A_533, %get3A_527, %broadcast_in_dim3A_580 : vector<16xi1>, vector<16xi32>
    %add3A_582 = arith.addi %add3A_578, %select_n3A_581 : vector<16xi32>
    %swap3A_583 = arith.constant 1 : i32
    %swap3A_584 = arith.index_cast %swap3A_583 : i32 to index
    %swap3A_585 = arith.constant 96 : index
    %swap3A_586 = tpu.vector_load %arg16[%swap3A_584, %swap3A_585] {strides = array<i32>} : memref<2x128xi32, #tpu.memory_space<vmem>>, vector<1x16xi32>,
    %swap3A_587 = vector.shape_cast %swap3A_586 : vector<1x16xi32> to vector<16xi32>
    %swap3A_588 = vector.shape_cast %add3A_582 : vector<16xi32> to vector<1x16xi32>
    tpu.vector_store %arg16[%swap3A_584, %swap3A_585], %swap3A_588 {strides = array<i32>} : memref<2x128xi32, #tpu.memory_space<vmem>>, vector<1x16xi32>,
    %div3A_589 = arith.divf %select_n3A_539, %max3A_549 : vector<16xf32>
    %swap3A_590 = arith.constant 0 : i32
    %swap3A_591 = arith.index_cast %swap3A_590 : i32 to index
    %swap3A_592 = arith.constant 96 : index
    %swap3A_593 = tpu.vector_load %arg17[%swap3A_591, %swap3A_592] {strides = array<i32>} : memref<2x128xf32, #tpu.memory_space<vmem>>, vector<1x16xf32>,
    %swap3A_594 = vector.shape_cast %swap3A_593 : vector<1x16xf32> to vector<16xf32>
    %swap3A_595 = vector.shape_cast %div3A_589 : vector<16xf32> to vector<1x16xf32>
    tpu.vector_store %arg17[%swap3A_591, %swap3A_592], %swap3A_595 {strides = array<i32>} : memref<2x128xf32, #tpu.memory_space<vmem>>, vector<1x16xf32>,
    %div3A_596 = arith.divf %select_n3A_545, %max3A_549 : vector<16xf32>
    %swap3A_597 = arith.constant 1 : i32
    %swap3A_598 = arith.index_cast %swap3A_597 : i32 to index
    %swap3A_599 = arith.constant 96 : index
    %swap3A_600 = tpu.vector_load %arg17[%swap3A_598, %swap3A_599] {strides = array<i32>} : memref<2x128xf32, #tpu.memory_space<vmem>>, vector<1x16xf32>,
    %swap3A_601 = vector.shape_cast %swap3A_600 : vector<1x16xf32> to vector<16xf32>
    %swap3A_602 = vector.shape_cast %div3A_596 : vector<16xf32> to vector<1x16xf32>
    tpu.vector_store %arg17[%swap3A_598, %swap3A_599], %swap3A_602 {strides = array<i32>} : memref<2x128xf32, #tpu.memory_space<vmem>>, vector<1x16xf32>,
    %get3A_603 = arith.constant 112 : index
    %get3A_604 = tpu.vector_load %arg10[%get3A_603] {strides = array<i32>} : memref<128xi32, #tpu.memory_space<vmem>>, vector<16xi32>,
    %get3A_605 = vector.shape_cast %get3A_604 : vector<16xi32> to vector<16xi32>
    %get3A_606 = arith.constant 112 : index
    %get3A_607 = tpu.vector_load %arg11[%get3A_606] {strides = array<i32>} : memref<128xi32, #tpu.memory_space<vmem>>, vector<16xi32>,
    %get3A_608 = vector.shape_cast %get3A_607 : vector<16xi32> to vector<16xi32>
    %get3A_609 = arith.constant 112 : index
    %get3A_610 = tpu.vector_load %arg12[%get3A_609] {strides = array<i32>} : memref<128xi32, #tpu.memory_space<vmem>>, vector<16xi32>,
    %get3A_611 = vector.shape_cast %get3A_610 : vector<16xi32> to vector<16xi32>
    %get3A_612 = arith.constant 112 : index
    %get3A_613 = tpu.vector_load %arg13[%get3A_612] {strides = array<i32>} : memref<128xi32, #tpu.memory_space<vmem>>, vector<16xi32>,
    %get3A_614 = vector.shape_cast %get3A_613 : vector<16xi32> to vector<16xi32>
    %lt3A_615 = arith.constant 128 : i32
    %lt3A_616 = vector.broadcast %lt3A_615 : i32 to vector<16xi32>
    %lt3A_617 = arith.cmpi slt, %get3A_611, %lt3A_616 : vector<16xi32>
    %lt3A_618 = arith.constant 128 : i32
    %lt3A_619 = vector.broadcast %lt3A_618 : i32 to vector<16xi32>
    %lt3A_620 = arith.cmpi slt, %get3A_614, %lt3A_619 : vector<16xi32>
    %get3A_621 = arith.constant 112 : index
    %get3A_622 = tpu.vector_load %arg14[%get3A_621] {strides = array<i32>} : memref<128xf32, #tpu.memory_space<vmem>>, vector<16xf32>,
    %get3A_623 = vector.shape_cast %get3A_622 : vector<16xf32> to vector<16xf32>
    %jit3A_624 = arith.constant 0.000000e+00 : f32
    %broadcast_in_dim3A_625 = vector.broadcast %jit3A_624 : f32 to vector<16xf32>
    %select_n3A_626 = arith.select %lt3A_617, %get3A_623, %broadcast_in_dim3A_625 : vector<16xi1>, vector<16xf32>
    %get3A_627 = arith.constant 112 : index
    %get3A_628 = tpu.vector_load %arg15[%get3A_627] {strides = array<i32>} : memref<128xf32, #tpu.memory_space<vmem>>, vector<16xf32>,
    %get3A_629 = vector.shape_cast %get3A_628 : vector<16xf32> to vector<16xf32>
    %jit3A_630 = arith.constant 0.000000e+00 : f32
    %broadcast_in_dim3A_631 = vector.broadcast %jit3A_630 : f32 to vector<16xf32>
    %select_n3A_632 = arith.select %lt3A_620, %get3A_629, %broadcast_in_dim3A_631 : vector<16xi1>, vector<16xf32>
    %add3A_633 = arith.addf %select_n3A_626, %select_n3A_632 : vector<16xf32>
    %max3A_634 = arith.constant 1.1920929E-7 : f32
    %max3A_635 = vector.broadcast %max3A_634 : f32 to vector<16xf32>
    %max3A_636 = arith.maximumf %add3A_633, %max3A_635 : vector<16xf32>
    %add3A_637 = arith.constant 112 : i32
    %add3A_638 = arith.addi %mul3A_2, %add3A_637 : i32
    %iota3A_639 = tpu.iota {dimensions = array<i32: 0>} : vector<16xi32>
    %add3A_640 = vector.broadcast %add3A_638 : i32 to vector<16xi32>
    %add3A_641 = arith.addi %add3A_640, %iota3A_639 : vector<16xi32>
    %mul3A_642 = arith.constant 8192 : i32
    %mul3A_643 = vector.broadcast %mul3A_642 : i32 to vector<16xi32>
    %mul3A_644 = arith.muli %add3A_641, %mul3A_643 : vector<16xi32>
    %mul3A_645 = arith.constant 128 : i32
    %mul3A_646 = vector.broadcast %mul3A_645 : i32 to vector<16xi32>
    %mul3A_647 = arith.muli %get3A_605, %mul3A_646 : vector<16xi32>
    %add3A_648 = arith.addi %mul3A_644, %mul3A_647 : vector<16xi32>
    %jit3A_649 = arith.constant 0 : i32
    %broadcast_in_dim3A_650 = vector.broadcast %jit3A_649 : i32 to vector<16xi32>
    %select_n3A_651 = arith.select %lt3A_617, %get3A_611, %broadcast_in_dim3A_650 : vector<16xi1>, vector<16xi32>
    %add3A_652 = arith.addi %add3A_648, %select_n3A_651 : vector<16xi32>
    %swap3A_653 = arith.constant 0 : i32
    %swap3A_654 = arith.index_cast %swap3A_653 : i32 to index
    %swap3A_655 = arith.constant 112 : index
    %swap3A_656 = tpu.vector_load %arg16[%swap3A_654, %swap3A_655] {strides = array<i32>} : memref<2x128xi32, #tpu.memory_space<vmem>>, vector<1x16xi32>,
    %swap3A_657 = vector.shape_cast %swap3A_656 : vector<1x16xi32> to vector<16xi32>
    %swap3A_658 = vector.shape_cast %add3A_652 : vector<16xi32> to vector<1x16xi32>
    tpu.vector_store %arg16[%swap3A_654, %swap3A_655], %swap3A_658 {strides = array<i32>} : memref<2x128xi32, #tpu.memory_space<vmem>>, vector<1x16xi32>,
    %mul3A_659 = arith.constant 8192 : i32
    %mul3A_660 = vector.broadcast %mul3A_659 : i32 to vector<16xi32>
    %mul3A_661 = arith.muli %add3A_641, %mul3A_660 : vector<16xi32>
    %mul3A_662 = arith.constant 128 : i32
    %mul3A_663 = vector.broadcast %mul3A_662 : i32 to vector<16xi32>
    %mul3A_664 = arith.muli %get3A_608, %mul3A_663 : vector<16xi32>
    %add3A_665 = arith.addi %mul3A_661, %mul3A_664 : vector<16xi32>
    %jit3A_666 = arith.constant 0 : i32
    %broadcast_in_dim3A_667 = vector.broadcast %jit3A_666 : i32 to vector<16xi32>
    %select_n3A_668 = arith.select %lt3A_620, %get3A_614, %broadcast_in_dim3A_667 : vector<16xi1>, vector<16xi32>
    %add3A_669 = arith.addi %add3A_665, %select_n3A_668 : vector<16xi32>
    %swap3A_670 = arith.constant 1 : i32
    %swap3A_671 = arith.index_cast %swap3A_670 : i32 to index
    %swap3A_672 = arith.constant 112 : index
    %swap3A_673 = tpu.vector_load %arg16[%swap3A_671, %swap3A_672] {strides = array<i32>} : memref<2x128xi32, #tpu.memory_space<vmem>>, vector<1x16xi32>,
    %swap3A_674 = vector.shape_cast %swap3A_673 : vector<1x16xi32> to vector<16xi32>
    %swap3A_675 = vector.shape_cast %add3A_669 : vector<16xi32> to vector<1x16xi32>
    tpu.vector_store %arg16[%swap3A_671, %swap3A_672], %swap3A_675 {strides = array<i32>} : memref<2x128xi32, #tpu.memory_space<vmem>>, vector<1x16xi32>,
    %div3A_676 = arith.divf %select_n3A_626, %max3A_636 : vector<16xf32>
    %swap3A_677 = arith.constant 0 : i32
    %swap3A_678 = arith.index_cast %swap3A_677 : i32 to index
    %swap3A_679 = arith.constant 112 : index
    %swap3A_680 = tpu.vector_load %arg17[%swap3A_678, %swap3A_679] {strides = array<i32>} : memref<2x128xf32, #tpu.memory_space<vmem>>, vector<1x16xf32>,
    %swap3A_681 = vector.shape_cast %swap3A_680 : vector<1x16xf32> to vector<16xf32>
    %swap3A_682 = vector.shape_cast %div3A_676 : vector<16xf32> to vector<1x16xf32>
    tpu.vector_store %arg17[%swap3A_678, %swap3A_679], %swap3A_682 {strides = array<i32>} : memref<2x128xf32, #tpu.memory_space<vmem>>, vector<1x16xf32>,
    %div3A_683 = arith.divf %select_n3A_632, %max3A_636 : vector<16xf32>
    %swap3A_684 = arith.constant 1 : i32
    %swap3A_685 = arith.index_cast %swap3A_684 : i32 to index
    %swap3A_686 = arith.constant 112 : index
    %swap3A_687 = tpu.vector_load %arg17[%swap3A_685, %swap3A_686] {strides = array<i32>} : memref<2x128xf32, #tpu.memory_space<vmem>>, vector<1x16xf32>,
    %swap3A_688 = vector.shape_cast %swap3A_687 : vector<1x16xf32> to vector<16xf32>
    %swap3A_689 = vector.shape_cast %div3A_683 : vector<16xf32> to vector<1x16xf32>
    tpu.vector_store %arg17[%swap3A_685, %swap3A_686], %swap3A_689 {strides = array<i32>} : memref<2x128xf32, #tpu.memory_space<vmem>>, vector<1x16xf32>,
    %dma_start3A = arith.constant 0 : i32
    %dma_start3A_690 = arith.constant 0 : i32
    %dma_start3A_691 = arith.constant 0 : i32
    %dma_start3A_692 = tpu.memref_slice %arg17[%dma_start3A, %dma_start3A_691] : memref<2x128xf32, #tpu.memory_space<vmem>> -> memref<1x128xf32, #tpu.memory_space<vmem>>
    %dma_start3A_693 = tpu.memref_squeeze %dma_start3A_692 : memref<1x128xf32, #tpu.memory_space<vmem>> -> memref<128xf32, #tpu.memory_space<vmem>>
    %dma_start3A_694 = arith.constant 0 : i32
    %dma_start3A_695 = tpu.memref_slice %arg16[%dma_start3A_690, %dma_start3A_694] : memref<2x128xi32, #tpu.memory_space<vmem>> -> memref<1x128xi32, #tpu.memory_space<vmem>>
    %dma_start3A_696 = tpu.memref_squeeze %dma_start3A_695 : memref<1x128xi32, #tpu.memory_space<vmem>> -> memref<128xi32, #tpu.memory_space<vmem>>
    %dma_start3A_697 = arith.constant 0 : i32
    %dma_start3A_698 = tpu.memref_slice %arg2[%dma_start3A_697] : memref<33554432xf32, #tpu.memory_space<hbm>> -> memref<33554432xf32, #tpu.memory_space<hbm>>
    tpu.enqueue_indirect_dma source(%dma_start3A_693 : memref<128xf32, #tpu.memory_space<vmem>>) target(%dma_start3A_698 : memref<33554432xf32, #tpu.memory_space<hbm>>) offsets(%dma_start3A_696 : memref<128xi32, #tpu.memory_space<vmem>>) semaphore(%arg18 : memref<!tpu.dma_semaphore, #tpu.memory_space<semaphore_mem>>)
    %dma_start3A_699 = arith.constant 1 : i32
    %dma_start3A_700 = arith.constant 1 : i32
    %dma_start3A_701 = arith.constant 0 : i32
    %dma_start3A_702 = tpu.memref_slice %arg17[%dma_start3A_699, %dma_start3A_701] : memref<2x128xf32, #tpu.memory_space<vmem>> -> memref<1x128xf32, #tpu.memory_space<vmem>>
    %dma_start3A_703 = tpu.memref_squeeze %dma_start3A_702 : memref<1x128xf32, #tpu.memory_space<vmem>> -> memref<128xf32, #tpu.memory_space<vmem>>
    %dma_start3A_704 = arith.constant 0 : i32
    %dma_start3A_705 = tpu.memref_slice %arg16[%dma_start3A_700, %dma_start3A_704] : memref<2x128xi32, #tpu.memory_space<vmem>> -> memref<1x128xi32, #tpu.memory_space<vmem>>
    %dma_start3A_706 = tpu.memref_squeeze %dma_start3A_705 : memref<1x128xi32, #tpu.memory_space<vmem>> -> memref<128xi32, #tpu.memory_space<vmem>>
    %dma_start3A_707 = arith.constant 0 : i32
    %dma_start3A_708 = tpu.memref_slice %arg2[%dma_start3A_707] : memref<33554432xf32, #tpu.memory_space<hbm>> -> memref<33554432xf32, #tpu.memory_space<hbm>>
    tpu.enqueue_indirect_dma source(%dma_start3A_703 : memref<128xf32, #tpu.memory_space<vmem>>) target(%dma_start3A_708 : memref<33554432xf32, #tpu.memory_space<hbm>>) offsets(%dma_start3A_706 : memref<128xi32, #tpu.memory_space<vmem>>) semaphore(%arg19 : memref<!tpu.dma_semaphore, #tpu.memory_space<semaphore_mem>>)
    %dma_wait3A = arith.constant 0 : i32
    %dma_wait3A_709 = arith.constant 0 : i32
    %dma_wait3A_710 = arith.constant 0 : i32
    %dma_wait3A_711 = tpu.memref_slice %arg17[%dma_wait3A, %dma_wait3A_710] : memref<2x128xf32, #tpu.memory_space<vmem>> -> memref<1x128xf32, #tpu.memory_space<vmem>>
    %dma_wait3A_712 = tpu.memref_squeeze %dma_wait3A_711 : memref<1x128xf32, #tpu.memory_space<vmem>> -> memref<128xf32, #tpu.memory_space<vmem>>
    %dma_wait3A_713 = arith.constant 0 : i32
    %dma_wait3A_714 = tpu.memref_slice %arg16[%dma_wait3A_709, %dma_wait3A_713] : memref<2x128xi32, #tpu.memory_space<vmem>> -> memref<1x128xi32, #tpu.memory_space<vmem>>
    %dma_wait3A_715 = tpu.memref_squeeze %dma_wait3A_714 : memref<1x128xi32, #tpu.memory_space<vmem>> -> memref<128xi32, #tpu.memory_space<vmem>>
    %dma_wait3A_716 = arith.constant 0 : i32
    %dma_wait3A_717 = tpu.memref_slice %arg2[%dma_wait3A_716] : memref<33554432xf32, #tpu.memory_space<hbm>> -> memref<33554432xf32, #tpu.memory_space<hbm>>
    tpu.wait_indirect_dma semaphore(%arg18 : memref<!tpu.dma_semaphore, #tpu.memory_space<semaphore_mem>>) src(%dma_wait3A_712 : memref<128xf32, #tpu.memory_space<vmem>>) dst(%dma_wait3A_717 : memref<33554432xf32, #tpu.memory_space<hbm>>)
    %dma_wait3A_718 = arith.constant 1 : i32
    %dma_wait3A_719 = arith.constant 1 : i32
    %dma_wait3A_720 = arith.constant 0 : i32
    %dma_wait3A_721 = tpu.memref_slice %arg17[%dma_wait3A_718, %dma_wait3A_720] : memref<2x128xf32, #tpu.memory_space<vmem>> -> memref<1x128xf32, #tpu.memory_space<vmem>>
    %dma_wait3A_722 = tpu.memref_squeeze %dma_wait3A_721 : memref<1x128xf32, #tpu.memory_space<vmem>> -> memref<128xf32, #tpu.memory_space<vmem>>
    %dma_wait3A_723 = arith.constant 0 : i32
    %dma_wait3A_724 = tpu.memref_slice %arg16[%dma_wait3A_719, %dma_wait3A_723] : memref<2x128xi32, #tpu.memory_space<vmem>> -> memref<1x128xi32, #tpu.memory_space<vmem>>
    %dma_wait3A_725 = tpu.memref_squeeze %dma_wait3A_724 : memref<1x128xi32, #tpu.memory_space<vmem>> -> memref<128xi32, #tpu.memory_space<vmem>>
    %dma_wait3A_726 = arith.constant 0 : i32
    %dma_wait3A_727 = tpu.memref_slice %arg2[%dma_wait3A_726] : memref<33554432xf32, #tpu.memory_space<hbm>> -> memref<33554432xf32, #tpu.memory_space<hbm>>
    tpu.wait_indirect_dma semaphore(%arg19 : memref<!tpu.dma_semaphore, #tpu.memory_space<semaphore_mem>>) src(%dma_wait3A_722 : memref<128xf32, #tpu.memory_space<vmem>>) dst(%dma_wait3A_727 : memref<33554432xf32, #tpu.memory_space<hbm>>)
    return
  }
}

module attributes {stable_mosaic.version = 14 : i64} {
  func.func @_gate_kernel(%arg0: i32, %arg1: memref<512x4096xf32, #tpu.memory_space<vmem>>, %arg2: memref<4096x64xf32, #tpu.memory_space<vmem>>, %arg3: memref<512x64xf32, #tpu.memory_space<vmem>>, %arg4: memref<512xi32, #tpu.memory_space<vmem>>, %arg5: memref<512xi32, #tpu.memory_space<vmem>>, %arg6: memref<512xf32, #tpu.memory_space<vmem>>, %arg7: memref<512xf32, #tpu.memory_space<vmem>>, %arg8: memref<512xi32, #tpu.memory_space<vmem>>, %arg9: memref<512xi32, #tpu.memory_space<vmem>>, %arg10: memref<1x64xf32, #tpu.memory_space<vmem>>, %arg11: memref<1x64xi32, #tpu.memory_space<vmem>>, %arg12: memref<1x64xf32, #tpu.memory_space<vmem>>, %arg13: memref<1x64xf32, #tpu.memory_space<vmem>>, %arg14: memref<512x512xf32, #tpu.memory_space<vmem>>) attributes {dimension_semantics = [#tpu.dimension_semantics<arbitrary>], iteration_bounds = array<i64: 8>, scalar_prefetch = 0 : i64, scratch_operands = 3 : i64, tpu.core_type = #tpu.core_type<tc>, window_params = [{transform_indices = @transform_0, window_bounds = array<i64: 512, 4096>}, {pipeline_mode = #tpu.pipeline_mode<synchronous>, transform_indices = @transform_1, window_bounds = array<i64: 4096, 64>}, {transform_indices = @transform_2, window_bounds = array<i64: 512, 64>}, {transform_indices = @transform_3, window_bounds = array<i64: 512>}, {transform_indices = @transform_4, window_bounds = array<i64: 512>}, {transform_indices = @transform_5, window_bounds = array<i64: 512>}, {transform_indices = @transform_6, window_bounds = array<i64: 512>}, {transform_indices = @transform_7, window_bounds = array<i64: 512>}, {transform_indices = @transform_8, window_bounds = array<i64: 512>}, {pipeline_mode = #tpu.pipeline_mode<synchronous>, transform_indices = @transform_9, window_bounds = array<i64: 1, 64>}, {pipeline_mode = #tpu.pipeline_mode<synchronous>, transform_indices = @transform_10, window_bounds = array<i64: 1, 64>}]} {
    %eq3A = arith.constant 0 : i32
    %eq3A_0 = arith.cmpi eq, %arg0, %eq3A : i32
    %convert_element_type3A = arith.extui %eq3A_0 : i1 to i32
    %cond3A = arith.constant 0 : i32
    %cond3A_1 = arith.cmpi ne, %convert_element_type3A, %cond3A : i32
    scf.if %cond3A_1 {
      %broadcast_in_dim3A_135 = arith.constant 0.000000e+00 : f32
      %broadcast_in_dim3A_136 = vector.broadcast %broadcast_in_dim3A_135 : f32 to vector<1x64xf32>
      %swap3A_137 = arith.constant 0 : index
      %swap3A_138 = arith.constant 0 : index
      %swap3A_139 = vector.load %arg12[%swap3A_137, %swap3A_138] : memref<1x64xf32, #tpu.memory_space<vmem>>, vector<1x64xf32>
      tpu.vector_store %arg12[%swap3A_137, %swap3A_138], %broadcast_in_dim3A_136 {strides = array<i32>} : memref<1x64xf32, #tpu.memory_space<vmem>>, vector<1x64xf32>,
      %broadcast_in_dim3A_140 = arith.constant 0.000000e+00 : f32
      %broadcast_in_dim3A_141 = vector.broadcast %broadcast_in_dim3A_140 : f32 to vector<1x64xf32>
      %swap3A_142 = arith.constant 0 : index
      %swap3A_143 = arith.constant 0 : index
      %swap3A_144 = vector.load %arg13[%swap3A_142, %swap3A_143] : memref<1x64xf32, #tpu.memory_space<vmem>>, vector<1x64xf32>
      tpu.vector_store %arg13[%swap3A_142, %swap3A_143], %broadcast_in_dim3A_141 {strides = array<i32>} : memref<1x64xf32, #tpu.memory_space<vmem>>, vector<1x64xf32>,
      %broadcast_in_dim3A_145 = arith.constant 0.000000e+00 : f32
      %broadcast_in_dim3A_146 = vector.broadcast %broadcast_in_dim3A_145 : f32 to vector<1x64xf32>
      %swap3A_147 = arith.constant 0 : index
      %swap3A_148 = arith.constant 0 : index
      %swap3A_149 = vector.load %arg10[%swap3A_147, %swap3A_148] : memref<1x64xf32, #tpu.memory_space<vmem>>, vector<1x64xf32>
      tpu.vector_store %arg10[%swap3A_147, %swap3A_148], %broadcast_in_dim3A_146 {strides = array<i32>} : memref<1x64xf32, #tpu.memory_space<vmem>>, vector<1x64xf32>,
      %iota3A_150 = tpu.iota {dimensions = array<i32: 0>} : vector<512x512xi32>
      %iota3A_151 = tpu.iota {dimensions = array<i32: 1>} : vector<512x512xi32>
      %ge3A = arith.cmpi sge, %iota3A_150, %iota3A_151 : vector<512x512xi32>
      %convert_element_type3A_152 = arith.extui %ge3A : vector<512x512xi1> to vector<512x512xi32>
      %convert_element_type3A_153 = arith.sitofp %convert_element_type3A_152 : vector<512x512xi32> to vector<512x512xf32>
      %swap3A_154 = arith.constant 0 : index
      %swap3A_155 = arith.constant 0 : index
      %swap3A_156 = vector.load %arg14[%swap3A_154, %swap3A_155] : memref<512x512xf32, #tpu.memory_space<vmem>>, vector<512x512xf32>
      tpu.vector_store %arg14[%swap3A_154, %swap3A_155], %convert_element_type3A_153 {strides = array<i32>} : memref<512x512xf32, #tpu.memory_space<vmem>>, vector<512x512xf32>,
    } else {
    }
    %get3A = arith.constant 0 : index
    %get3A_2 = arith.constant 0 : index
    %get3A_3 = vector.load %arg1[%get3A, %get3A_2] : memref<512x4096xf32, #tpu.memory_space<vmem>>, vector<512x4096xf32>
    %get3A_4 = arith.constant 0 : index
    %get3A_5 = arith.constant 0 : index
    %get3A_6 = vector.load %arg2[%get3A_4, %get3A_5] : memref<4096x64xf32, #tpu.memory_space<vmem>>, vector<4096x64xf32>
    %dot_general3A = arith.constant dense<0.000000e+00> : vector<512x64xf32>
    %dot_general3A_7 = tpu.matmul %get3A_3, %get3A_6, %dot_general3A {dimension_numbers = #tpu.dot_dimension_numbers<[1], [0], [0], [1], [0, 0, 1, 1], [], []>, transpose_lhs_hint = false} : vector<512x4096xf32>, vector<4096x64xf32>, vector<512x64xf32> -> vector<512x64xf32>
    %reduce_max3A = arith.constant dense<0xFF800000> : vector<512xf32>
    %reduce_max3A_8 = vector.multi_reduction <maximumf>, %dot_general3A_7, %reduce_max3A [1] : vector<512x64xf32> to vector<512xf32>
    %broadcast_in_dim3A = vector.shape_cast %reduce_max3A_8 : vector<512xf32> to vector<512x1xf32>
    %sub3A = vector.broadcast %broadcast_in_dim3A : vector<512x1xf32> to vector<512x64xf32>
    %sub3A_9 = arith.subf %dot_general3A_7, %sub3A : vector<512x64xf32>
    %exp3A = math.exp %sub3A_9 : vector<512x64xf32>
    %reduce_sum3A = arith.constant dense<0.000000e+00> : vector<512xf32>
    %reduce_sum3A_10 = vector.multi_reduction <add>, %exp3A, %reduce_sum3A [1] : vector<512x64xf32> to vector<512xf32>
    %broadcast_in_dim3A_11 = vector.shape_cast %reduce_sum3A_10 : vector<512xf32> to vector<512x1xf32>
    %div3A = vector.broadcast %broadcast_in_dim3A_11 : vector<512x1xf32> to vector<512x64xf32>
    %div3A_12 = arith.divf %exp3A, %div3A : vector<512x64xf32>
    %iota3A = tpu.iota {dimensions = array<i32: 1>} : vector<512x64xi32>
    %reduce_max3A_13 = arith.constant dense<0xFF800000> : vector<512xf32>
    %reduce_max3A_14 = vector.multi_reduction <maximumf>, %div3A_12, %reduce_max3A_13 [1] : vector<512x64xf32> to vector<512xf32>
    %broadcast_in_dim3A_15 = vector.shape_cast %reduce_max3A_14 : vector<512xf32> to vector<512x1xf32>
    %eq3A_16 = vector.broadcast %broadcast_in_dim3A_15 : vector<512x1xf32> to vector<512x64xf32>
    %eq3A_17 = arith.cmpf oeq, %div3A_12, %eq3A_16 : vector<512x64xf32>
    %jit3A = arith.constant 64 : i32
    %broadcast_in_dim3A_18 = vector.broadcast %jit3A : i32 to vector<512x64xi32>
    %select_n3A = arith.select %eq3A_17, %iota3A, %broadcast_in_dim3A_18 : vector<512x64xi1>, vector<512x64xi32>
    %reduce_min3A = arith.constant dense<2147483647> : vector<512xi32>
    %reduce_min3A_19 = vector.multi_reduction <minsi>, %select_n3A, %reduce_min3A [1] : vector<512x64xi32> to vector<512xi32>
    %broadcast_in_dim3A_20 = vector.shape_cast %reduce_min3A_19 : vector<512xi32> to vector<512x1xi32>
    %get3A_21 = arith.constant 0 : index
    %get3A_22 = arith.constant 0 : index
    %get3A_23 = vector.load %arg3[%get3A_21, %get3A_22] : memref<512x64xf32, #tpu.memory_space<vmem>>, vector<512x64xf32>
    %add3A = arith.addf %dot_general3A_7, %get3A_23 : vector<512x64xf32>
    %eq3A_24 = vector.broadcast %broadcast_in_dim3A_20 : vector<512x1xi32> to vector<512x64xi32>
    %eq3A_25 = arith.cmpi eq, %iota3A, %eq3A_24 : vector<512x64xi32>
    %jit3A_26 = arith.constant 0xFF800000 : f32
    %broadcast_in_dim3A_27 = vector.broadcast %jit3A_26 : f32 to vector<512x64xf32>
    %select_n3A_28 = arith.select %eq3A_25, %broadcast_in_dim3A_27, %add3A : vector<512x64xi1>, vector<512x64xf32>
    %reduce_max3A_29 = arith.constant dense<0xFF800000> : vector<512xf32>
    %reduce_max3A_30 = vector.multi_reduction <maximumf>, %select_n3A_28, %reduce_max3A_29 [1] : vector<512x64xf32> to vector<512xf32>
    %broadcast_in_dim3A_31 = vector.shape_cast %reduce_max3A_30 : vector<512xf32> to vector<512x1xf32>
    %eq3A_32 = vector.broadcast %broadcast_in_dim3A_31 : vector<512x1xf32> to vector<512x64xf32>
    %eq3A_33 = arith.cmpf oeq, %select_n3A_28, %eq3A_32 : vector<512x64xf32>
    %jit3A_34 = arith.constant 64 : i32
    %broadcast_in_dim3A_35 = vector.broadcast %jit3A_34 : i32 to vector<512x64xi32>
    %select_n3A_36 = arith.select %eq3A_33, %iota3A, %broadcast_in_dim3A_35 : vector<512x64xi1>, vector<512x64xi32>
    %reduce_min3A_37 = arith.constant dense<2147483647> : vector<512xi32>
    %reduce_min3A_38 = vector.multi_reduction <minsi>, %select_n3A_36, %reduce_min3A_37 [1] : vector<512x64xi32> to vector<512xi32>
    %broadcast_in_dim3A_39 = vector.shape_cast %reduce_min3A_38 : vector<512xi32> to vector<512x1xi32>
    %eq3A_40 = vector.broadcast %broadcast_in_dim3A_20 : vector<512x1xi32> to vector<512x64xi32>
    %eq3A_41 = arith.cmpi eq, %iota3A, %eq3A_40 : vector<512x64xi32>
    %convert_element_type3A_42 = arith.extui %eq3A_41 : vector<512x64xi1> to vector<512x64xi32>
    %convert_element_type3A_43 = arith.sitofp %convert_element_type3A_42 : vector<512x64xi32> to vector<512x64xf32>
    %eq3A_44 = vector.broadcast %broadcast_in_dim3A_39 : vector<512x1xi32> to vector<512x64xi32>
    %eq3A_45 = arith.cmpi eq, %iota3A, %eq3A_44 : vector<512x64xi32>
    %convert_element_type3A_46 = arith.extui %eq3A_45 : vector<512x64xi1> to vector<512x64xi32>
    %convert_element_type3A_47 = arith.sitofp %convert_element_type3A_46 : vector<512x64xi32> to vector<512x64xf32>
    %mul3A = arith.mulf %div3A_12, %convert_element_type3A_47 : vector<512x64xf32>
    %broadcast_in_dim3A_48 = arith.constant 1.000000e+00 : f32
    %broadcast_in_dim3A_49 = vector.broadcast %broadcast_in_dim3A_48 : f32 to vector<64x1xf32>
    %dot_general3A_50 = arith.constant dense<0.000000e+00> : vector<512x1xf32>
    %dot_general3A_51 = tpu.matmul %mul3A, %broadcast_in_dim3A_49, %dot_general3A_50 {dimension_numbers = #tpu.dot_dimension_numbers<[1], [0], [0], [1], [0, 0, 1, 1], [], []>, transpose_lhs_hint = false} : vector<512x64xf32>, vector<64x1xf32>, vector<512x1xf32> -> vector<512x1xf32>
    %get3A_52 = arith.constant 0 : index
    %get3A_53 = arith.constant 0 : index
    %get3A_54 = vector.load %arg14[%get3A_52, %get3A_53] : memref<512x512xf32, #tpu.memory_space<vmem>>, vector<512x512xf32>
    %dot_general3A_55 = arith.constant dense<0.000000e+00> : vector<512x64xf32>
    %dot_general3A_56 = tpu.matmul %get3A_54, %convert_element_type3A_43, %dot_general3A_55 {dimension_numbers = #tpu.dot_dimension_numbers<[1], [0], [0], [1], [0, 0, 1, 1], [], []>, transpose_lhs_hint = false} : vector<512x512xf32>, vector<512x64xf32>, vector<512x64xf32> -> vector<512x64xf32>
    %dot_general3A_57 = arith.constant dense<0.000000e+00> : vector<512x64xf32>
    %dot_general3A_58 = tpu.matmul %get3A_54, %convert_element_type3A_47, %dot_general3A_57 {dimension_numbers = #tpu.dot_dimension_numbers<[1], [0], [0], [1], [0, 0, 1, 1], [], []>, transpose_lhs_hint = false} : vector<512x512xf32>, vector<512x64xf32>, vector<512x64xf32> -> vector<512x64xf32>
    %sub3A_59 = arith.constant 1.000000e+00 : f32
    %sub3A_60 = vector.broadcast %sub3A_59 : f32 to vector<512x64xf32>
    %sub3A_61 = arith.subf %dot_general3A_56, %sub3A_60 : vector<512x64xf32>
    %get3A_62 = arith.constant 0 : index
    %get3A_63 = arith.constant 0 : index
    %get3A_64 = vector.load %arg12[%get3A_62, %get3A_63] : memref<1x64xf32, #tpu.memory_space<vmem>>, vector<1x64xf32>
    %add3A_65 = vector.broadcast %get3A_64 : vector<1x64xf32> to vector<512x64xf32>
    %add3A_66 = arith.addf %sub3A_61, %add3A_65 : vector<512x64xf32>
    %sub3A_67 = arith.constant 1.000000e+00 : f32
    %sub3A_68 = vector.broadcast %sub3A_67 : f32 to vector<512x64xf32>
    %sub3A_69 = arith.subf %dot_general3A_58, %sub3A_68 : vector<512x64xf32>
    %get3A_70 = arith.constant 0 : index
    %get3A_71 = arith.constant 0 : index
    %get3A_72 = vector.load %arg13[%get3A_70, %get3A_71] : memref<1x64xf32, #tpu.memory_space<vmem>>, vector<1x64xf32>
    %add3A_73 = vector.broadcast %get3A_72 : vector<1x64xf32> to vector<512x64xf32>
    %add3A_74 = arith.addf %sub3A_69, %add3A_73 : vector<512x64xf32>
    %broadcast_in_dim3A_75 = arith.constant 1.000000e+00 : f32
    %broadcast_in_dim3A_76 = vector.broadcast %broadcast_in_dim3A_75 : f32 to vector<64x1xf32>
    %broadcast_in_dim3A_77 = arith.constant 1.000000e+00 : f32
    %broadcast_in_dim3A_78 = vector.broadcast %broadcast_in_dim3A_77 : f32 to vector<1x512xf32>
    %mul3A_79 = arith.mulf %convert_element_type3A_43, %add3A_66 : vector<512x64xf32>
    %dot_general3A_80 = arith.constant dense<0.000000e+00> : vector<512x1xf32>
    %dot_general3A_81 = tpu.matmul %mul3A_79, %broadcast_in_dim3A_76, %dot_general3A_80 {dimension_numbers = #tpu.dot_dimension_numbers<[1], [0], [0], [1], [0, 0, 1, 1], [], []>, transpose_lhs_hint = false} : vector<512x64xf32>, vector<64x1xf32>, vector<512x1xf32> -> vector<512x1xf32>
    %mul3A_82 = arith.mulf %convert_element_type3A_47, %add3A_74 : vector<512x64xf32>
    %dot_general3A_83 = arith.constant dense<0.000000e+00> : vector<512x1xf32>
    %dot_general3A_84 = tpu.matmul %mul3A_82, %broadcast_in_dim3A_76, %dot_general3A_83 {dimension_numbers = #tpu.dot_dimension_numbers<[1], [0], [0], [1], [0, 0, 1, 1], [], []>, transpose_lhs_hint = false} : vector<512x64xf32>, vector<64x1xf32>, vector<512x1xf32> -> vector<512x1xf32>
    %get3A_85 = arith.constant 0 : index
    %get3A_86 = arith.constant 0 : index
    %get3A_87 = vector.load %arg12[%get3A_85, %get3A_86] : memref<1x64xf32, #tpu.memory_space<vmem>>, vector<1x64xf32>
    %dot_general3A_88 = arith.constant dense<0.000000e+00> : vector<1x64xf32>
    %dot_general3A_89 = tpu.matmul %broadcast_in_dim3A_78, %convert_element_type3A_43, %dot_general3A_88 {dimension_numbers = #tpu.dot_dimension_numbers<[1], [0], [0], [1], [0, 0, 1, 1], [], []>, transpose_lhs_hint = false} : vector<1x512xf32>, vector<512x64xf32>, vector<1x64xf32> -> vector<1x64xf32>
    %add3A_90 = arith.addf %get3A_87, %dot_general3A_89 : vector<1x64xf32>
    %swap3A = arith.constant 0 : index
    %swap3A_91 = arith.constant 0 : index
    %swap3A_92 = vector.load %arg12[%swap3A, %swap3A_91] : memref<1x64xf32, #tpu.memory_space<vmem>>, vector<1x64xf32>
    tpu.vector_store %arg12[%swap3A, %swap3A_91], %add3A_90 {strides = array<i32>} : memref<1x64xf32, #tpu.memory_space<vmem>>, vector<1x64xf32>,
    %get3A_93 = arith.constant 0 : index
    %get3A_94 = arith.constant 0 : index
    %get3A_95 = vector.load %arg13[%get3A_93, %get3A_94] : memref<1x64xf32, #tpu.memory_space<vmem>>, vector<1x64xf32>
    %dot_general3A_96 = arith.constant dense<0.000000e+00> : vector<1x64xf32>
    %dot_general3A_97 = tpu.matmul %broadcast_in_dim3A_78, %convert_element_type3A_47, %dot_general3A_96 {dimension_numbers = #tpu.dot_dimension_numbers<[1], [0], [0], [1], [0, 0, 1, 1], [], []>, transpose_lhs_hint = false} : vector<1x512xf32>, vector<512x64xf32>, vector<1x64xf32> -> vector<1x64xf32>
    %add3A_98 = arith.addf %get3A_95, %dot_general3A_97 : vector<1x64xf32>
    %swap3A_99 = arith.constant 0 : index
    %swap3A_100 = arith.constant 0 : index
    %swap3A_101 = vector.load %arg13[%swap3A_99, %swap3A_100] : memref<1x64xf32, #tpu.memory_space<vmem>>, vector<1x64xf32>
    tpu.vector_store %arg13[%swap3A_99, %swap3A_100], %add3A_98 {strides = array<i32>} : memref<1x64xf32, #tpu.memory_space<vmem>>, vector<1x64xf32>,
    %get3A_102 = arith.constant 0 : index
    %get3A_103 = arith.constant 0 : index
    %get3A_104 = vector.load %arg10[%get3A_102, %get3A_103] : memref<1x64xf32, #tpu.memory_space<vmem>>, vector<1x64xf32>
    %dot_general3A_105 = arith.constant dense<0.000000e+00> : vector<1x64xf32>
    %dot_general3A_106 = tpu.matmul %broadcast_in_dim3A_78, %div3A_12, %dot_general3A_105 {dimension_numbers = #tpu.dot_dimension_numbers<[1], [0], [0], [1], [0, 0, 1, 1], [], []>, transpose_lhs_hint = false} : vector<1x512xf32>, vector<512x64xf32>, vector<1x64xf32> -> vector<1x64xf32>
    %add3A_107 = arith.addf %get3A_104, %dot_general3A_106 : vector<1x64xf32>
    %swap3A_108 = arith.constant 0 : index
    %swap3A_109 = arith.constant 0 : index
    %swap3A_110 = vector.load %arg10[%swap3A_108, %swap3A_109] : memref<1x64xf32, #tpu.memory_space<vmem>>, vector<1x64xf32>
    tpu.vector_store %arg10[%swap3A_108, %swap3A_109], %add3A_107 {strides = array<i32>} : memref<1x64xf32, #tpu.memory_space<vmem>>, vector<1x64xf32>,
    %reshape3A = vector.shape_cast %broadcast_in_dim3A_20 : vector<512x1xi32> to vector<512xi32>
    %swap3A_111 = arith.constant 0 : index
    %swap3A_112 = vector.load %arg4[%swap3A_111] : memref<512xi32, #tpu.memory_space<vmem>>, vector<512xi32>
    tpu.vector_store %arg4[%swap3A_111], %reshape3A {strides = array<i32>} : memref<512xi32, #tpu.memory_space<vmem>>, vector<512xi32>,
    %reshape3A_113 = vector.shape_cast %broadcast_in_dim3A_39 : vector<512x1xi32> to vector<512xi32>
    %swap3A_114 = arith.constant 0 : index
    %swap3A_115 = vector.load %arg5[%swap3A_114] : memref<512xi32, #tpu.memory_space<vmem>>, vector<512xi32>
    tpu.vector_store %arg5[%swap3A_114], %reshape3A_113 {strides = array<i32>} : memref<512xi32, #tpu.memory_space<vmem>>, vector<512xi32>,
    %reshape3A_116 = vector.shape_cast %broadcast_in_dim3A_15 : vector<512x1xf32> to vector<512xf32>
    %swap3A_117 = arith.constant 0 : index
    %swap3A_118 = vector.load %arg6[%swap3A_117] : memref<512xf32, #tpu.memory_space<vmem>>, vector<512xf32>
    tpu.vector_store %arg6[%swap3A_117], %reshape3A_116 {strides = array<i32>} : memref<512xf32, #tpu.memory_space<vmem>>, vector<512xf32>,
    %reshape3A_119 = vector.shape_cast %dot_general3A_51 : vector<512x1xf32> to vector<512xf32>
    %swap3A_120 = arith.constant 0 : index
    %swap3A_121 = vector.load %arg7[%swap3A_120] : memref<512xf32, #tpu.memory_space<vmem>>, vector<512xf32>
    tpu.vector_store %arg7[%swap3A_120], %reshape3A_119 {strides = array<i32>} : memref<512xf32, #tpu.memory_space<vmem>>, vector<512xf32>,
    %convert_element_type3A_122 = arith.fptosi %dot_general3A_81 : vector<512x1xf32> to vector<512x1xi32>
    %reshape3A_123 = vector.shape_cast %convert_element_type3A_122 : vector<512x1xi32> to vector<512xi32>
    %swap3A_124 = arith.constant 0 : index
    %swap3A_125 = vector.load %arg8[%swap3A_124] : memref<512xi32, #tpu.memory_space<vmem>>, vector<512xi32>
    tpu.vector_store %arg8[%swap3A_124], %reshape3A_123 {strides = array<i32>} : memref<512xi32, #tpu.memory_space<vmem>>, vector<512xi32>,
    %convert_element_type3A_126 = arith.fptosi %dot_general3A_84 : vector<512x1xf32> to vector<512x1xi32>
    %reshape3A_127 = vector.shape_cast %convert_element_type3A_126 : vector<512x1xi32> to vector<512xi32>
    %swap3A_128 = arith.constant 0 : index
    %swap3A_129 = vector.load %arg9[%swap3A_128] : memref<512xi32, #tpu.memory_space<vmem>>, vector<512xi32>
    tpu.vector_store %arg9[%swap3A_128], %reshape3A_127 {strides = array<i32>} : memref<512xi32, #tpu.memory_space<vmem>>, vector<512xi32>,
    %eq3A_130 = arith.constant 7 : i32
    %eq3A_131 = arith.cmpi eq, %arg0, %eq3A_130 : i32
    %convert_element_type3A_132 = arith.extui %eq3A_131 : i1 to i32
    %cond3A_133 = arith.constant 0 : i32
    %cond3A_134 = arith.cmpi ne, %convert_element_type3A_132, %cond3A_133 : i32
    scf.if %cond3A_134 {
      %get3A_135 = arith.constant 0 : index
      %get3A_136 = arith.constant 0 : index
      %get3A_137 = vector.load %arg12[%get3A_135, %get3A_136] : memref<1x64xf32, #tpu.memory_space<vmem>>, vector<1x64xf32>
      %convert_element_type3A_138 = arith.fptosi %get3A_137 : vector<1x64xf32> to vector<1x64xi32>
      %swap3A_139 = arith.constant 0 : index
      %swap3A_140 = arith.constant 0 : index
      %swap3A_141 = vector.load %arg11[%swap3A_139, %swap3A_140] : memref<1x64xi32, #tpu.memory_space<vmem>>, vector<1x64xi32>
      tpu.vector_store %arg11[%swap3A_139, %swap3A_140], %convert_element_type3A_138 {strides = array<i32>} : memref<1x64xi32, #tpu.memory_space<vmem>>, vector<1x64xi32>,
    } else {
    }
    return
  }
  func.func @transform_0(%arg0: i32) -> (i32, i32) {
    %c0_i32 = arith.constant 0 : i32
    %c0_i32_0 = arith.constant 0 : i32
    return %arg0, %c0_i32 : i32, i32
  }
  func.func @transform_1(%arg0: i32) -> (i32, i32) {
    %c0_i32 = arith.constant 0 : i32
    %c0_i32_0 = arith.constant 0 : i32
    %c0_i32_1 = arith.constant 0 : i32
    return %c0_i32, %c0_i32_0 : i32, i32
  }
  func.func @transform_2(%arg0: i32) -> (i32, i32) {
    %c0_i32 = arith.constant 0 : i32
    %c0_i32_0 = arith.constant 0 : i32
    return %arg0, %c0_i32 : i32, i32
  }
  func.func @transform_3(%arg0: i32) -> i32 {
    %c0_i32 = arith.constant 0 : i32
    return %arg0 : i32
  }
  func.func @transform_4(%arg0: i32) -> i32 {
    %c0_i32 = arith.constant 0 : i32
    return %arg0 : i32
  }
  func.func @transform_5(%arg0: i32) -> i32 {
    %c0_i32 = arith.constant 0 : i32
    return %arg0 : i32
  }
  func.func @transform_6(%arg0: i32) -> i32 {
    %c0_i32 = arith.constant 0 : i32
    return %arg0 : i32
  }
  func.func @transform_7(%arg0: i32) -> i32 {
    %c0_i32 = arith.constant 0 : i32
    return %arg0 : i32
  }
  func.func @transform_8(%arg0: i32) -> i32 {
    %c0_i32 = arith.constant 0 : i32
    return %arg0 : i32
  }
  func.func @transform_9(%arg0: i32) -> (i32, i32) {
    %c0_i32 = arith.constant 0 : i32
    %c0_i32_0 = arith.constant 0 : i32
    %c0_i32_1 = arith.constant 0 : i32
    return %c0_i32, %c0_i32_0 : i32, i32
  }
  func.func @transform_10(%arg0: i32) -> (i32, i32) {
    %c0_i32 = arith.constant 0 : i32
    %c0_i32_0 = arith.constant 0 : i32
    %c0_i32_1 = arith.constant 0 : i32
    return %c0_i32, %c0_i32_0 : i32, i32
  }
}

module attributes {stable_mosaic.version = 14 : i64} {
  func.func @_disp_kernel(%arg0: i32, %arg1: memref<256xi32, #tpu.memory_space<vmem>>, %arg2: memref<256xi32, #tpu.memory_space<vmem>>, %arg3: memref<256xi32, #tpu.memory_space<vmem>>, %arg4: memref<256xi32, #tpu.memory_space<vmem>>, %arg5: memref<256xf32, #tpu.memory_space<vmem>>, %arg6: memref<256xf32, #tpu.memory_space<vmem>>, %arg7: memref<1x64xi32, #tpu.memory_space<vmem>>, %arg8: memref<1x64xf32, #tpu.memory_space<vmem>>, %arg9: memref<256x64x128xi8, #tpu.memory_space<vmem>>, %arg10: memref<1x1xf32, #tpu.memory_space<vmem>>, %arg11: memref<256xi32, #tpu.memory_space<vmem>>) attributes {dimension_semantics = [#tpu.dimension_semantics<arbitrary>], iteration_bounds = array<i64: 16>, scalar_prefetch = 0 : i64, scratch_operands = 0 : i64, tpu.core_type = #tpu.core_type<tc>, window_params = [{transform_indices = @transform_0, window_bounds = array<i64: 256>}, {transform_indices = @transform_1, window_bounds = array<i64: 256>}, {transform_indices = @transform_2, window_bounds = array<i64: 256>}, {transform_indices = @transform_3, window_bounds = array<i64: 256>}, {transform_indices = @transform_4, window_bounds = array<i64: 256>}, {transform_indices = @transform_5, window_bounds = array<i64: 256>}, {pipeline_mode = #tpu.pipeline_mode<synchronous>, transform_indices = @transform_6, window_bounds = array<i64: 1, 64>}, {pipeline_mode = #tpu.pipeline_mode<synchronous>, transform_indices = @transform_7, window_bounds = array<i64: 1, 64>}, {transform_indices = @transform_8, window_bounds = array<i64: 256, 64, 128>}, {pipeline_mode = #tpu.pipeline_mode<synchronous>, transform_indices = @transform_9, window_bounds = array<i64: 1, 1>}, {transform_indices = @transform_10, window_bounds = array<i64: 256>}]} {
    %get3A = arith.constant 0 : index
    %get3A_0 = vector.load %arg1[%get3A] : memref<256xi32, #tpu.memory_space<vmem>>, vector<256xi32>
    %reshape3A = vector.shape_cast %get3A_0 : vector<256xi32> to vector<256x1xi32>
    %get3A_1 = arith.constant 0 : index
    %get3A_2 = vector.load %arg2[%get3A_1] : memref<256xi32, #tpu.memory_space<vmem>>, vector<256xi32>
    %reshape3A_3 = vector.shape_cast %get3A_2 : vector<256xi32> to vector<256x1xi32>
    %get3A_4 = arith.constant 0 : index
    %get3A_5 = vector.load %arg3[%get3A_4] : memref<256xi32, #tpu.memory_space<vmem>>, vector<256xi32>
    %reshape3A_6 = vector.shape_cast %get3A_5 : vector<256xi32> to vector<256x1xi32>
    %get3A_7 = arith.constant 0 : index
    %get3A_8 = vector.load %arg4[%get3A_7] : memref<256xi32, #tpu.memory_space<vmem>>, vector<256xi32>
    %reshape3A_9 = vector.shape_cast %get3A_8 : vector<256xi32> to vector<256x1xi32>
    %get3A_10 = arith.constant 0 : index
    %get3A_11 = vector.load %arg5[%get3A_10] : memref<256xf32, #tpu.memory_space<vmem>>, vector<256xf32>
    %reshape3A_12 = vector.shape_cast %get3A_11 : vector<256xf32> to vector<256x1xf32>
    %get3A_13 = arith.constant 0 : index
    %get3A_14 = vector.load %arg6[%get3A_13] : memref<256xf32, #tpu.memory_space<vmem>>, vector<256xf32>
    %reshape3A_15 = vector.shape_cast %get3A_14 : vector<256xf32> to vector<256x1xf32>
    %get3A_16 = arith.constant 0 : index
    %get3A_17 = arith.constant 0 : index
    %get3A_18 = vector.load %arg7[%get3A_16, %get3A_17] : memref<1x64xi32, #tpu.memory_space<vmem>>, vector<1x64xi32>
    %iota3A = tpu.iota {dimensions = array<i32: 1>} : vector<256x64xi32>
    %broadcast_in_dim3A = vector.shape_cast %get3A_18 : vector<1x64xi32> to vector<1x64xi32>
    %broadcast_in_dim3A_19 = vector.broadcast %broadcast_in_dim3A : vector<1x64xi32> to vector<256x64xi32>
    %eq3A = vector.broadcast %reshape3A_3 : vector<256x1xi32> to vector<256x64xi32>
    %eq3A_20 = arith.cmpi eq, %iota3A, %eq3A : vector<256x64xi32>
    %jit3A = arith.constant 0 : i32
    %broadcast_in_dim3A_21 = vector.broadcast %jit3A : i32 to vector<256x64xi32>
    %select_n3A = arith.select %eq3A_20, %broadcast_in_dim3A_19, %broadcast_in_dim3A_21 : vector<256x64xi1>, vector<256x64xi32>
    %reduce_sum3A = arith.constant dense<0> : vector<256xi32>
    %reduce_sum3A_22 = vector.multi_reduction <add>, %select_n3A, %reduce_sum3A [1] : vector<256x64xi32> to vector<256xi32>
    %broadcast_in_dim3A_23 = vector.shape_cast %reduce_sum3A_22 : vector<256xi32> to vector<256x1xi32>
    %add3A = arith.addi %reshape3A_9, %broadcast_in_dim3A_23 : vector<256x1xi32>
    %reshape3A_24 = vector.shape_cast %add3A : vector<256x1xi32> to vector<256xi32>
    %swap3A = arith.constant 0 : index
    %swap3A_25 = vector.load %arg11[%swap3A] : memref<256xi32, #tpu.memory_space<vmem>>, vector<256xi32>
    tpu.vector_store %arg11[%swap3A], %reshape3A_24 {strides = array<i32>} : memref<256xi32, #tpu.memory_space<vmem>>, vector<256xi32>,
    %lt3A = arith.constant 128 : i32
    %lt3A_26 = vector.broadcast %lt3A : i32 to vector<256x1xi32>
    %lt3A_27 = arith.cmpi slt, %reshape3A_6, %lt3A_26 : vector<256x1xi32>
    %lt3A_28 = arith.constant 128 : i32
    %lt3A_29 = vector.broadcast %lt3A_28 : i32 to vector<256x1xi32>
    %lt3A_30 = arith.cmpi slt, %add3A, %lt3A_29 : vector<256x1xi32>
    %jit3A_31 = arith.constant 0.000000e+00 : f32
    %broadcast_in_dim3A_32 = vector.broadcast %jit3A_31 : f32 to vector<256x1xf32>
    %select_n3A_33 = arith.select %lt3A_27, %reshape3A_12, %broadcast_in_dim3A_32 : vector<256x1xi1>, vector<256x1xf32>
    %jit3A_34 = arith.constant 0.000000e+00 : f32
    %broadcast_in_dim3A_35 = vector.broadcast %jit3A_34 : f32 to vector<256x1xf32>
    %select_n3A_36 = arith.select %lt3A_30, %reshape3A_15, %broadcast_in_dim3A_35 : vector<256x1xi1>, vector<256x1xf32>
    %ne3A = arith.constant 0.000000e+00 : f32
    %ne3A_37 = vector.broadcast %ne3A : f32 to vector<256x1xf32>
    %ne3A_38 = arith.cmpf one, %select_n3A_33, %ne3A_37 : vector<256x1xf32>
    %ne3A_39 = arith.constant 0.000000e+00 : f32
    %ne3A_40 = vector.broadcast %ne3A_39 : f32 to vector<256x1xf32>
    %ne3A_41 = arith.cmpf one, %select_n3A_36, %ne3A_40 : vector<256x1xf32>
    %mul3A = arith.constant 128 : i32
    %mul3A_42 = vector.broadcast %mul3A : i32 to vector<256x1xi32>
    %mul3A_43 = arith.muli %reshape3A, %mul3A_42 : vector<256x1xi32>
    %add3A_44 = arith.addi %mul3A_43, %reshape3A_6 : vector<256x1xi32>
    %jit3A_45 = arith.constant -1 : i32
    %broadcast_in_dim3A_46 = vector.broadcast %jit3A_45 : i32 to vector<256x1xi32>
    %select_n3A_47 = arith.select %ne3A_38, %add3A_44, %broadcast_in_dim3A_46 : vector<256x1xi1>, vector<256x1xi32>
    %mul3A_48 = arith.constant 128 : i32
    %mul3A_49 = vector.broadcast %mul3A_48 : i32 to vector<256x1xi32>
    %mul3A_50 = arith.muli %reshape3A_3, %mul3A_49 : vector<256x1xi32>
    %add3A_51 = arith.addi %mul3A_50, %add3A : vector<256x1xi32>
    %jit3A_52 = arith.constant -1 : i32
    %broadcast_in_dim3A_53 = vector.broadcast %jit3A_52 : i32 to vector<256x1xi32>
    %select_n3A_54 = arith.select %ne3A_41, %add3A_51, %broadcast_in_dim3A_53 : vector<256x1xi1>, vector<256x1xi32>
    %iota3A_55 = tpu.iota {dimensions = array<i32: 1>} : vector<256x64x128xi32>
    %mul3A_56 = arith.constant 128 : i32
    %mul3A_57 = vector.broadcast %mul3A_56 : i32 to vector<256x64x128xi32>
    %mul3A_58 = arith.muli %iota3A_55, %mul3A_57 : vector<256x64x128xi32>
    %iota3A_59 = tpu.iota {dimensions = array<i32: 2>} : vector<256x64x128xi32>
    %add3A_60 = arith.addi %mul3A_58, %iota3A_59 : vector<256x64x128xi32>
    %broadcast_in_dim3A_61 = vector.shape_cast %select_n3A_47 : vector<256x1xi32> to vector<256x1x1xi32>
    %eq3A_62 = vector.broadcast %broadcast_in_dim3A_61 : vector<256x1x1xi32> to vector<256x64x128xi32>
    %eq3A_63 = arith.cmpi eq, %add3A_60, %eq3A_62 : vector<256x64x128xi32>
    %broadcast_in_dim3A_64 = vector.shape_cast %select_n3A_54 : vector<256x1xi32> to vector<256x1x1xi32>
    %eq3A_65 = vector.broadcast %broadcast_in_dim3A_64 : vector<256x1x1xi32> to vector<256x64x128xi32>
    %eq3A_66 = arith.cmpi eq, %add3A_60, %eq3A_65 : vector<256x64x128xi32>
    %or3A = arith.ori %eq3A_63, %eq3A_66 : vector<256x64x128xi1>
    %convert_element_type3A = arith.extui %or3A : vector<256x64x128xi1> to vector<256x64x128xi8>
    %swap3A_67 = arith.constant 0 : index
    %swap3A_68 = arith.constant 0 : index
    %swap3A_69 = arith.constant 0 : index
    %swap3A_70 = vector.load %arg9[%swap3A_67, %swap3A_68, %swap3A_69] : memref<256x64x128xi8, #tpu.memory_space<vmem>>, vector<256x64x128xi8>
    tpu.vector_store %arg9[%swap3A_67, %swap3A_68, %swap3A_69], %convert_element_type3A {strides = array<i32>} : memref<256x64x128xi8, #tpu.memory_space<vmem>>, vector<256x64x128xi8>,
    %eq3A_71 = arith.constant 0 : i32
    %eq3A_72 = arith.cmpi eq, %arg0, %eq3A_71 : i32
    %convert_element_type3A_73 = arith.extui %eq3A_72 : i1 to i32
    %cond3A = arith.constant 0 : i32
    %cond3A_74 = arith.cmpi ne, %convert_element_type3A_73, %cond3A : i32
    scf.if %cond3A_74 {
      %get3A_75 = arith.constant 0 : index
      %get3A_76 = arith.constant 0 : index
      %get3A_77 = vector.load %arg8[%get3A_75, %get3A_76] : memref<1x64xf32, #tpu.memory_space<vmem>>, vector<1x64xf32>
      %mul3A_78 = arith.constant 2.44140625E-4 : f32
      %mul3A_79 = vector.broadcast %mul3A_78 : f32 to vector<1x64xf32>
      %mul3A_80 = arith.mulf %get3A_77, %mul3A_79 : vector<1x64xf32>
      %convert_element_type3A_81 = arith.sitofp %get3A_18 : vector<1x64xi32> to vector<1x64xf32>
      %mul3A_82 = arith.constant 2.44140625E-4 : f32
      %mul3A_83 = vector.broadcast %mul3A_82 : f32 to vector<1x64xf32>
      %mul3A_84 = arith.mulf %convert_element_type3A_81, %mul3A_83 : vector<1x64xf32>
      %mul3A_85 = arith.mulf %mul3A_80, %mul3A_84 : vector<1x64xf32>
      %reduce_sum3A_86 = vector.shape_cast %mul3A_85 : vector<1x64xf32> to vector<1x1x64xf32>
      %reduce_sum3A_87 = arith.constant dense<0.000000e+00> : vector<1xf32>
      %reduce_sum3A_88 = vector.multi_reduction <add>, %reduce_sum3A_86, %reduce_sum3A_87 [1, 2] : vector<1x1x64xf32> to vector<1xf32>
      %reduce_sum3A_89 = vector.shape_cast %reduce_sum3A_88 : vector<1xf32> to vector<1x1x1xf32>
      %reduce_sum3A_90 = vector.extract %reduce_sum3A_89[0, 0, 0] : f32 from vector<1x1x1xf32>
      %mul3A_91 = arith.constant 6.400000e+01 : f32
      %mul3A_92 = arith.mulf %reduce_sum3A_90, %mul3A_91 : f32
      %reshape3A_93 = vector.broadcast %mul3A_92 : f32 to vector<1x1xf32>
      %swap3A_94 = arith.constant 0 : index
      %swap3A_95 = arith.constant 0 : index
      %swap3A_96 = vector.load %arg10[%swap3A_94, %swap3A_95] : memref<1x1xf32, #tpu.memory_space<vmem>>, vector<1x1xf32>
      tpu.vector_store %arg10[%swap3A_94, %swap3A_95], %reshape3A_93 {strides = array<i32>} : memref<1x1xf32, #tpu.memory_space<vmem>>, vector<1x1xf32>,
    } else {
    }
    return
  }
  func.func @transform_0(%arg0: i32) -> i32 {
    %c0_i32 = arith.constant 0 : i32
    return %arg0 : i32
  }
  func.func @transform_1(%arg0: i32) -> i32 {
    %c0_i32 = arith.constant 0 : i32
    return %arg0 : i32
  }
  func.func @transform_2(%arg0: i32) -> i32 {
    %c0_i32 = arith.constant 0 : i32
    return %arg0 : i32
  }
  func.func @transform_3(%arg0: i32) -> i32 {
    %c0_i32 = arith.constant 0 : i32
    return %arg0 : i32
  }
  func.func @transform_4(%arg0: i32) -> i32 {
    %c0_i32 = arith.constant 0 : i32
    return %arg0 : i32
  }
  func.func @transform_5(%arg0: i32) -> i32 {
    %c0_i32 = arith.constant 0 : i32
    return %arg0 : i32
  }
  func.func @transform_6(%arg0: i32) -> (i32, i32) {
    %c0_i32 = arith.constant 0 : i32
    %c0_i32_0 = arith.constant 0 : i32
    %c0_i32_1 = arith.constant 0 : i32
    return %c0_i32, %c0_i32_0 : i32, i32
  }
  func.func @transform_7(%arg0: i32) -> (i32, i32) {
    %c0_i32 = arith.constant 0 : i32
    %c0_i32_0 = arith.constant 0 : i32
    %c0_i32_1 = arith.constant 0 : i32
    return %c0_i32, %c0_i32_0 : i32, i32
  }
  func.func @transform_8(%arg0: i32) -> (i32, i32, i32) {
    %c0_i32 = arith.constant 0 : i32
    %c0_i32_0 = arith.constant 0 : i32
    %c0_i32_1 = arith.constant 0 : i32
    return %arg0, %c0_i32, %c0_i32_0 : i32, i32, i32
  }
  func.func @transform_9(%arg0: i32) -> (i32, i32) {
    %c0_i32 = arith.constant 0 : i32
    %c0_i32_0 = arith.constant 0 : i32
    %c0_i32_1 = arith.constant 0 : i32
    return %c0_i32, %c0_i32_0 : i32, i32
  }
  func.func @transform_10(%arg0: i32) -> i32 {
    %c0_i32 = arith.constant 0 : i32
    return %arg0 : i32
  }
}

</mosaic_0001>

<sc_bundles>
// kernel: kernel.6.cloned.1.call-start
scs
__scs_entry_jumppad:
0x0: {  	(pc) =	sbr.rel $0x88, $3  }
0x1: {  	(tag) =	ssettag $0x0;
	lr =	simm.s32 $0x1  }
0x2: {  	[smem:$0x3F9F] =	sst lr;
	_ =	strace $0xD0000000  }
0x3: {  	_ = 	snop  }
0x4: {  	_ = 	snop  }
0x5: {  	_ = 	snop  }
0x6: {  	_ = 	snop  }
0x7: {  	_ = 	snop  }
__scs_overlays_trampoline_lowered:
0x8: {  	[smem:$0x3FAE] =	sst s0  }
0x9: {  	[smem:$0x3FAF] =	sst s1  }
0xa: {  	[smem:$0x3FB0] =	sst s2  }
0xb: {  	[smem:$0x3FB1] =	sst s3  }
0xc: {  	[smem:$0x3FB2] =	sst s4  }
0xd: {  	[smem:$0x3FB3] =	sst s5  }
0xe: {  	[smem:$0x3FB4] =	sst s6  }
0xf: {  	[smem:$0x3FB5] =	sst s7  }
0x10: {  	[smem:$0x3FB6] =	sst s8  }
0x11: {  	[smem:$0x3FB7] =	sst s9;
	s0 =	simm.s32 @!p0 $0x0  }
0x12: {  	s1 =	sld [smem:$0x3F9D];
	s0 =	simm.s32 @p0 $0x1  }
0x13: {  	[smem:$0x3FB8] =	sst s0;
	s0 =	simm.s32 @!p1 $0x0  }
0x14: {  	s2 =	sld [smem:$0x3F9C];
	s0 =	simm.s32 @p1 $0x1  }
0x15: {  	[smem:$0x3FB9] =	sst s0;
	s0 =	simm.s32 @!p2 $0x0  }
0x16: {  	s3 =	sld [smem:$0x3FDB];
	s0 =	simm.s32 @p2 $0x1  }
0x17: {  	s4 =	simm.s32 $0x1BF5;
	[smem:$0x3FBB] =	sst s0  }
0x18: {  	s0 =	sld [smem:$0x3F9E];
	_ =	swait.ge [sflag:s4], $0x0  }
0x19: {  	s7 =	sld [smem:$0x3F9F]  }
0x1a: {  	s8 =	sadd.s32 $0xFFFFE003, lr  }
0x1b: {  	s9 =	sadd.s32 $0xFFFFFEF7, lr;
	s5 =	simm.s32 $0xFFFFFFFF;
	p2 =	slt.u32 s8, $0xFFFFF086  }
0x1c: {  	p1 =	slt.u32 s9, $0xF7A;
	s5 =	simm.s32 @!p2 $0x0  }
0x1d: {  	s5 =	simm.s32 @p1 $0x1;
	p0 =	seq.s32 s7, s2  }
0x1e: {  	s7 =	smul.u32 @!p0 $0xF7A, s2;
	p2 =	seq.s32 @!p0 s5, $0x0  }
0x1f: {  	s9 =	smul.u32 $0xF7A, s1;
	s8 =	simm.s32 @!p0 $0x1BF5;
	p2 =	por !p2, p0  }
0x20: {  	[sflag:s8] =	ssyncset.s32 @!p0 $0xFFFFF086;
	s6 =	sadd.s32 @!p0 s3, s7;
	s7 =	simm.s32 @!p0 $0x108  }
0x21: {  	s3 =	sadd.s32 s3, s9;
	s6 =	sadd.s32 @!p0 $0x88, s6;
	s7 =	simm.s32 @p2 $0x1082  }
0x22: {  	[simem:s7], [sflag:s8] =	dma.local @!p0 [hbm:s6], $0xF7A  }
0x23: {  	s9 =	sor.u32 $0xD0000000, s2;
	s6 =	simm.s32 $0x108;
	_ =	swait.ge @!p0 [sflag:s8], $0x0  }
0x24: {  	s3 =	sadd.s32 $0x88, s3;
	s6 =	simm.s32 @!p1 $0x1082;
	[sflag:s4] =	ssyncset.s32 $0xFFFFF086  }
0x25: {  	[simem:s6], [sflag:s4] =	dma.local [hbm:s3], $0xF7A  }
0x26: {  	[smem:$0x3F9F] =	sst s1;
	(tag) =	ssettag s2;
	_ =	strace s9  }
0x27: {  	s1 =	sld [smem:$0x3FAF]  }
0x28: {  	s2 =	sld [smem:$0x3FB0]  }
0x29: {  	s4 =	sld [smem:$0x3FB2]  }
0x2a: {  	p0 =	seq.s32 s5, $0x0;
	s5 =	sld [smem:$0x3FB3]  }
0x2b: {  	s6 =	sld [smem:$0x3FB4]  }
0x2c: {  	s7 =	sld [smem:$0x3FB5]  }
0x2d: {  	s3 =	simm.s32 $0x108;
	s8 =	sld [smem:$0x3FB6]  }
0x2e: {  	s3 =	simm.s32 @!p0 $0x1082;
	s9 =	sld [smem:$0x3FB7]  }
0x2f: {  	lr =	sadd.s32 s0, s3;
	s0 =	sld [smem:$0x3FAE]  }
0x30: {  	s3 =	sld [smem:$0x3FB1]  }
0x31: {  	[smem:$0x3FBA] =	sst s10  }
0x32: {  	s10 =	sld [smem:$0x3FB8];
	_ =	sdelay $0x3  }
0x33: {  	p0 =	seq.s32 s10, $0x1;
	s10 =	sld [smem:$0x3FBA];
	_ =	sdelay $0x3  }
0x34: {  	[smem:$0x3FBA] =	sst s10  }
0x35: {  	s10 =	sld [smem:$0x3FB9];
	_ =	sdelay $0x3  }
0x36: {  	p1 =	seq.s32 s10, $0x1;
	s10 =	sld [smem:$0x3FBA];
	_ =	sdelay $0x3  }
0x37: {  	[smem:$0x3FBA] =	sst s10  }
0x38: {  	s10 =	sld [smem:$0x3FBB]  }
0x39: {  	_ = 	snop;
	(pc) =	sbr.ind lr, $3  }
0x3a: {  	_ = 	snop  }
0x3b: {  	_ = 	snop  }
0x3c: {  	p2 =	seq.s32 s10, $0x1;
	s10 =	sld [smem:$0x3FBA]  }
0x3d: {  	_ =	shalt  }
0x3e: {  	_ =	shalt  }
0x3f: {  	_ =	shalt  }
0x40: {  	_ =	shalt  }
0x41: {  	_ =	shalt  }
0x42: {  	_ =	shalt  }
0x43: {  	_ =	shalt  }
0x44: {  	_ =	shalt  }
0x45: {  	_ =	shalt  }
0x46: {  	_ =	shalt  }
0x47: {  	_ =	shalt  }
0x48: {  	_ =	shalt  }
0x49: {  	_ =	shalt  }
0x4a: {  	_ =	shalt  }
0x4b: {  	_ =	shalt  }
0x4c: {  	_ =	shalt  }
0x4d: {  	_ =	shalt  }
0x4e: {  	_ =	shalt  }
0x4f: {  	_ =	shalt  }
0x50: {  	_ =	shalt  }
0x51: {  	_ =	shalt  }
0x52: {  	_ =	shalt  }
0x53: {  	_ =	shalt  }
0x54: {  	_ =	shalt  }
0x55: {  	_ =	shalt  }
0x56: {  	_ =	shalt  }
0x57: {  	_ =	shalt  }
0x58: {  	_ =	shalt  }
0x59: {  	_ =	shalt  }
0x5a: {  	_ =	shalt  }
0x5b: {  	_ =	shalt  }
0x5c: {  	_ =	shalt  }
0x5d: {  	_ =	shalt  }
0x5e: {  	_ =	shalt  }
0x5f: {  	_ =	shalt  }
0x60: {  	_ =	shalt  }
0x61: {  	_ =	shalt  }
0x62: {  	_ =	shalt  }
0x63: {  	_ =	shalt  }
0x64: {  	_ =	shalt  }
0x65: {  	_ =	shalt  }
0x66: {  	_ =	shalt  }
0x67: {  	_ =	shalt  }
0x68: {  	_ =	shalt  }
0x69: {  	_ =	shalt  }
0x6a: {  	_ =	shalt  }
0x6b: {  	_ =	shalt  }
0x6c: {  	_ =	shalt  }
0x6d: {  	_ =	shalt  }
0x6e: {  	_ =	shalt  }
0x6f: {  	_ =	shalt  }
0x70: {  	_ =	shalt  }
0x71: {  	_ =	shalt  }
0x72: {  	_ =	shalt  }
0x73: {  	_ =	shalt  }
0x74: {  	_ =	shalt  }
0x75: {  	_ =	shalt  }
0x76: {  	_ =	shalt  }
0x77: {  	_ =	shalt  }
0x78: {  	_ =	shalt  }
0x79: {  	_ =	shalt  }
0x7a: {  	_ =	shalt  }
0x7b: {  	_ =	shalt  }
0x7c: {  	_ =	shalt  }
0x7d: {  	_ =	shalt  }
0x7e: {  	_ =	shalt  }
0x7f: {  	_ =	shalt  }
0x80: {  	_ =	shalt  }
0x81: {  	_ =	shalt  }
0x82: {  	_ =	shalt  }
0x83: {  	_ =	shalt  }
0x84: {  	_ =	shalt  }
0x85: {  	_ =	shalt  }
0x86: {  	_ =	shalt  }
0x87: {  	_ =	shalt  }
.Lfunc_end0:
.L_simem_size_0:
called_computation_lowered:
.L_overlay_start_0:
0x88: {  	s2 =	sld [smem:$0x3FD9]  }
0x89: {  	s3 =	sld [smem:$0x3FFE];
	_ =	sdelay $0x1  }
0x8a: {  	s1 =	srdreg.scid  }
0x8b: {  	s0 =	sand.u32 $0x1, s1  }
0x8c: {  	s14 =	sshll.u32 s0, $0xA;
	s2 =	sadd.s32 s3, s2  }
0x8d: {  	s2 =	sadd.s32 s2, s14  }
0x8e: {  	[smem:$0x3FC6] =	sst s2  }
0x8f: {  	_ = 	snop  }
0x90: {  	s2 =	sld [smem:$0x3FD0];
	_ =	sdelay $0x2  }
0x91: {  	s15 =	simm.s32 $0xA;
	s4 =	simm.s32 $0x10  }
0x92: {  	[smem:s4], [sflag:s15] =	dma.local [hbm:s2], $0x1  }
0x93: {  	_ =	swait.eq [sflag:s15], $0x1  }
0x94: {  	[sflag:s15] =	ssyncset.done $0x0  }
0x95: {  	[sflag:s15] =	ssyncadd.s32 $0xFFFFFFFF  }
0x96: {  	s16 =	sld [smem:$0x11];
	(tm) =	ssettm $0x1  }
0x97: {  	s17 =	sld [smem:$0x3FFB];
	_ =	sdelay $0x3  }
0x98: {  	_ =	strace s17  }
0x99: {  	s3 =	sld [smem:$0x3FFC];
	_ =	sdelay $0x3  }
0x9a: {  	_ =	strace s3  }
0x9b: {  	s3 =	sld [smem:$0x3FFD];
	_ =	sdelay $0x3  }
0x9c: {  	_ =	strace s3  }
0x9d: {  	_ =	strace $0x8FFFFFFF  }
0x9e: {  	s18 =	sld [smem:$0x3FDB];
	_ =	sdelay $0x1  }
0x9f: {  	s19 =	simm.s32 $_scs_section_size  }
0xa0: {  	s5 =	simm.s32 $_size__tile_overlayer_lowered;
	s6 =	simm.s32 $_tile_overlayer_lowered  }
0xa1: {  	s22 =	simm.s32 $0x1BFF;
	s21 =	sshll.u32 s6, $0x1;
	s3 =	sadd.s32 s19, s18  }
0xa2: {  	s7 =	simm.s32 $0x0;
	s20 =	sshll.u32 s5, $0x1;
	s5 =	sadd.s32 s21, s3  }
0xa3: {  	[timem:s7], [sflag:s22] =	dma.local [hbm:s5], s20  }
0xa4: {  	_ =	swait.ge [sflag:s22], s20  }
0xa5: {  	s4 =	ssub.s32 $0x0, s20;
	[sflag:s22] =	ssyncset.done $0x0  }
0xa6: {  	[sflag:s22] =	ssyncadd.s32 s4;
	_ =	sdelay $0x1  }
0xa7: {  	s23 =	simm.s32 $0x1B8B  }
0xa8: {  	_ =	swait.ge [sflag:s23], $0x1  }
0xa9: {  	[sflag:s23] =	ssyncset.done $0x0  }
0xaa: {  	s25 =	simm.s32 $0x1B8E;
	s24 =	sld [smem:$0x3FFE];
	[sflag:s23] =	ssyncadd.s32 $0xFFFFFFFF  }
0xab: {  	s26 =	simm.s32 $execute0_lowered;
	[smem:$0x3FD2] =	sst s25  }
0xac: {  	s5 =	sshll.u32 s26, $0x1;
	_ =	strace $0x80000046;
	[dreg:$0x1] =	wrdreg $0xFFFFFFFF  }
0xad: {  	s28 =	simm.s32 $_size_execute0_lowered;
	s3 =	sadd.s32 s3, s5;
	[dreg:$0x0] =	wrdreg $0x0  }
0xae: {  	s5 =	sshll.u32 s28, $0x1;
	[dreg:$0x2] =	wrdreg s3  }
0xaf: {  	[dreg:$0x3] =	wrdreg s5  }
0xb0: {  	[dreg:$0x4] =	wrdreg $0xC0  }
0xb1: {  	_ =	task [dreg:s7], $0x5FFFF  }
0xb2: {  	[dreg:$0x1] =	wrdreg $0xFFFFFFFF  }
0xb3: {  	[dreg:$0x0] =	wrdreg $0x60  }
0xb4: {  	[dreg:$0x2] =	wrdreg s24  }
0xb5: {  	[dreg:$0x3] =	wrdreg s16  }
0xb6: {  	[dreg:$0x4] =	wrdreg $0x9  }
0xb7: {  	_ =	task.clear_ibuf [dreg:s7], $0x5FFFF;
	_ =	strace $0x90000046  }
0xb8: {  	s29 =	simm.s32 $0x9;
	_ =	strace $0x80000048  }
0xb9: {  	_ =	swait.ge [sflag:s29], $0x1  }
0xba: {  	[sflag:s29] =	ssyncadd.s32 $0xFFFFFFFF  }
0xbb: {  	_ =	strace $0x90000048  }
0xbc: {  	_ =	sfence  }
0xbd: {  	s30 =	sld [smem:$0x0];
	_ =	sdelay $0x2  }
0xbe: {  	s31 =	sshll.u32 s1, $0xD;
	s1 =	sshrl.u32 s1, $0x2  }
0xbf: {  	s3 =	sand.u32 $0x4000, s31;
	s1 =	sadd.s32 s1, s30  }
0xc0: {  	s0 =	sor.u32 s3, s0;
	s1 =	sshll.u32 s1, $0x11  }
0xc1: {  	s0 =	sor.u32 s1, s0  }
0xc2: {  	s0 =	sadd.s32 $0x8F2B, s0  }
0xc3: {  	[sflag:s0] =	ssyncadd.remote.s32 $0x1  }
0xc4: {  	_ =	sfence.sel $0xFFFF  }
0xc5: {  	[dreg:$0x0] =	wrdreg $0xFFFFFFFF;
	(pc) =	sbr.abs _section_cstart, $3  }
0xc6: {  	[dreg:$0x1] =	wrdreg $0xFFFFFFFF  }
0xc7: {  	_ =	task.clear_ibuf [dreg:s7], $0x2FFFF;
	_ =	strace $0x9FFFFFFF  }
0xc8: {  	(tm) =	ssettm $0x7FFFFFFF  }
0xc9: {  	_ =	shalt  }
tec
execute0_lowered:
.L_overlay_start_1:
0x0: {  	(tag) =	ssettag $0x1  }
0x1: {  	s3 =	rddreg [dreg:$0x0]  }
0x2: {  	s6 =	rddreg [dreg:$0x1]  }
0x3: {  	s0 =	rddreg [dreg:$0x2];
	s4 =	srdreg.scid  }
0x4: {  	s2 =	simm.s32 $0x0;
	s1 =	stileid.u32;
	s9 =	simm.s32 $0x0  }
0x5: {  	s4 =	sand.u32 $0x1, s4;
	[smem:$0x7FF] =	sst s2;
	s5 =	sshll.u32 s1, $0x15  }
0x6: {  	s3 =	sadd.s32 $0x1E00, s3;
	s7 =	sshll.u32 s4, $0x14;
	s4 =	ssub.s32 $0x2, s4  }
0x7: {  	_ =	strace $0x80000047;
	s5 =	sor.u32 s7, s5;
	s30 =	sshrl.u32 s4, $0x1  }
0x8: {  	s8 =	sor.u32 $0x8000, s5;
	s7 =	ssub.s32 s4, s30;
	s31 =	sshrl.u32 s5, $0x3  }
0x9: {  	s8 =	sshrl.u32 s8, $0x3;
	s4 =	sadd.s32 s6, s31;
	s5 =	smax.u32 s7, $0x1  }
0xa: {  	s7 =	simm.s32 $0x2;
	s6 =	sadd.s32 s8, s6;
	s8 =	simm.s32 $0x1  }
.LBB2_1:
0xb: {  	[tilespmem:s2], [sflag:$0x2] =	stream.linear.gather [hbm4b:s3+s2], $0x8000, $0x38;
	[tilespmem:$0x8000] =	vst v63  }
0xc: {  	_ =	swait.ge [sflag:s7], $0x8000  }
0xd: {  	[sflag:s7] =	ssyncset.done $0x0  }
0xe: {  	[sflag:s7] =	ssyncadd.s32 $0xFFFF8000  }
0xf: {  	[hbm4b:s4+s2] =	stream.linear.scatter [tilespmem:s2], [sflag:$0x1], $0x8000, $0x38;
	[tilespmem:$0x8000] =	vst v63  }
0x10: {  	s10 =	sadd.s32 $0x0, s6  }
0x11: {  	[hbm4b:s10+s2] =	stream.linear.scatter [tilespmem:s2], [sflag:$0x1], $0x8000, $0x38;
	[tilespmem:$0x8000] =	vst v63  }
0x12: {  	_ =	swait.ge [sflag:s8], $0x8000  }
0x13: {  	s10 =	simm.s32 $0x1000;
	[sflag:s8] =	ssyncset.done $0x0  }
.LBB2_2:
0x14: {  	s11 =	sadd.s32 s10, s6;
	[sflag:s8] =	ssyncadd.s32 $0xFFFF8000;
	p0 =	sne.s32 s10, $0x1E000  }
0x15: {  	[hbm4b:s11+s2] =	stream.linear.scatter [tilespmem:s2], [sflag:$0x1], $0x8000, $0x38;
	[tilespmem:$0x8000] =	vst v63  }
.Ltmp0:
0x16: {  	_ = 	snop;
	(pc) =	sbr.rel @p0 .LBB2_2-.Ltmp0, $4  }
0x17: {  	_ = 	snop  }
0x18: {  	s10 =	sadd.s32 $0x1000, s10  }
0x19: {  	_ =	swait.ge [sflag:s8], $0x8000  }
0x1a: {  	[sflag:s8] =	ssyncset.done $0x0  }
0x1b: {  	s9 =	sadd.s32 $0x1, s9  }
0x1c: {  	p0 =	sne.s32 s9, s5  }
.Ltmp1:
0x1d: {  	_ = 	snop;
	(pc) =	sbr.rel @p0 .LBB2_1-.Ltmp1, $4  }
0x1e: {  	[sflag:s8] =	ssyncadd.s32 $0xFFFF8000  }
0x1f: {  	_ =	swait.ge [sflag:s8], $0x8000  }
0x20: {  	[sflag:s8] =	ssyncset.done $0x0  }
0x21: {  	[sflag:s8] =	ssyncadd.s32 $0xFFFF8000  }
0x22: {  	_ =	sfence.sel $0x180000  }
0x23: {  	[bflag:$0x0] =	sbarrier.arrive $0xFFFF  }
0x24: {  	p0 =	sne.s32 s1, $0x0;
	_ =	strace $0x90000047  }
0x25: {  	s0 =	sadd.s32 @!p0 $0x100000, s0;
	[bflag:$0x2] =	sbarrier.arrive $0xFFFF  }
0x26: {  	[sflag:s0] =	ssyncadd.tile.s32 @!p0 $0x1;
	_ =	shalt  }
.Lfunc_end2:
_tile_overlayer_lowered:
.L_overlay_start_2:
0x27: {  	(tag) =	ssettag $0x2  }
0x28: {  	s0 =	rddreg [dreg:$0x0];
	s2 =	stileid.u32  }
0x29: {  	s1 =	rddreg [dreg:$0x1];
	p0 =	sne.s32 s2, $0x0  }
0x2a: {  	s3 =	rddreg [dreg:$0x2];
	[bflag:$0x3] =	sbarrier.arrive $0xFFFF;
	s2 =	simm.s32 @!p0 $0x1C02  }
0x2b: {  	[timem:s3], [sflag:s2] =	dma.local @!p0 [hbm:s0], s1  }
0x2c: {  	s0 =	simm.s32 @!p0 $0x2  }
0x2d: {  	_ =	swait.ge @!p0 [sflag:s0], s1  }
0x2e: {  	s1 =	ssub.s32 @!p0 $0x0, s1;
	[sflag:s0] =	ssyncset.done @!p0 $0x0  }
0x2f: {  	[sflag:s0] =	ssyncadd.s32 @!p0 s1  }
0x30: {  	[bflag:$0x3] =	sbarrier.arrive $0xFFFF  }
0x31: {  	_ =	shalt  }

// kernel: kernel.9.cloned.1.call-start
scs
__scs_entry_jumppad:
0x0: {  	(pc) =	sbr.rel $0x88, $3  }
0x1: {  	(tag) =	ssettag $0x0;
	lr =	simm.s32 $0x1  }
0x2: {  	[smem:$0x3F9F] =	sst lr;
	_ =	strace $0xD0000000  }
0x3: {  	_ = 	snop  }
0x4: {  	_ = 	snop  }
0x5: {  	_ = 	snop  }
0x6: {  	_ = 	snop  }
0x7: {  	_ = 	snop  }
__scs_overlays_trampoline_lowered:
0x8: {  	[smem:$0x3FAE] =	sst s0  }
0x9: {  	[smem:$0x3FAF] =	sst s1  }
0xa: {  	[smem:$0x3FB0] =	sst s2  }
0xb: {  	[smem:$0x3FB1] =	sst s3  }
0xc: {  	[smem:$0x3FB2] =	sst s4  }
0xd: {  	[smem:$0x3FB3] =	sst s5  }
0xe: {  	[smem:$0x3FB4] =	sst s6  }
0xf: {  	[smem:$0x3FB5] =	sst s7  }
0x10: {  	[smem:$0x3FB6] =	sst s8  }
0x11: {  	[smem:$0x3FB7] =	sst s9;
	s0 =	simm.s32 @!p0 $0x0  }
0x12: {  	s1 =	sld [smem:$0x3F9D];
	s0 =	simm.s32 @p0 $0x1  }
0x13: {  	[smem:$0x3FB8] =	sst s0;
	s0 =	simm.s32 @!p1 $0x0  }
0x14: {  	s2 =	sld [smem:$0x3F9C];
	s0 =	simm.s32 @p1 $0x1  }
0x15: {  	[smem:$0x3FB9] =	sst s0;
	s0 =	simm.s32 @!p2 $0x0  }
0x16: {  	s3 =	sld [smem:$0x3FDB];
	s0 =	simm.s32 @p2 $0x1  }
0x17: {  	s4 =	simm.s32 $0x1BF5;
	[smem:$0x3FBB] =	sst s0  }
0x18: {  	s0 =	sld [smem:$0x3F9E];
	_ =	swait.ge [sflag:s4], $0x0  }
0x19: {  	s7 =	sld [smem:$0x3F9F]  }
0x1a: {  	s8 =	sadd.s32 $0xFFFFE003, lr  }
0x1b: {  	s9 =	sadd.s32 $0xFFFFFEF7, lr;
	s5 =	simm.s32 $0xFFFFFFFF;
	p2 =	slt.u32 s8, $0xFFFFF086  }
0x1c: {  	p1 =	slt.u32 s9, $0xF7A;
	s5 =	simm.s32 @!p2 $0x0  }
0x1d: {  	s5 =	simm.s32 @p1 $0x1;
	p0 =	seq.s32 s7, s2  }
0x1e: {  	s7 =	smul.u32 @!p0 $0xF7A, s2;
	p2 =	seq.s32 @!p0 s5, $0x0  }
0x1f: {  	s9 =	smul.u32 $0xF7A, s1;
	s8 =	simm.s32 @!p0 $0x1BF5;
	p2 =	por !p2, p0  }
0x20: {  	[sflag:s8] =	ssyncset.s32 @!p0 $0xFFFFF086;
	s6 =	sadd.s32 @!p0 s3, s7;
	s7 =	simm.s32 @!p0 $0x108  }
0x21: {  	s3 =	sadd.s32 s3, s9;
	s6 =	sadd.s32 @!p0 $0x88, s6;
	s7 =	simm.s32 @p2 $0x1082  }
0x22: {  	[simem:s7], [sflag:s8] =	dma.local @!p0 [hbm:s6], $0xF7A  }
0x23: {  	s9 =	sor.u32 $0xD0000000, s2;
	s6 =	simm.s32 $0x108;
	_ =	swait.ge @!p0 [sflag:s8], $0x0  }
0x24: {  	s3 =	sadd.s32 $0x88, s3;
	s6 =	simm.s32 @!p1 $0x1082;
	[sflag:s4] =	ssyncset.s32 $0xFFFFF086  }
0x25: {  	[simem:s6], [sflag:s4] =	dma.local [hbm:s3], $0xF7A  }
0x26: {  	[smem:$0x3F9F] =	sst s1;
	(tag) =	ssettag s2;
	_ =	strace s9  }
0x27: {  	s1 =	sld [smem:$0x3FAF]  }
0x28: {  	s2 =	sld [smem:$0x3FB0]  }
0x29: {  	s4 =	sld [smem:$0x3FB2]  }
0x2a: {  	p0 =	seq.s32 s5, $0x0;
	s5 =	sld [smem:$0x3FB3]  }
0x2b: {  	s6 =	sld [smem:$0x3FB4]  }
0x2c: {  	s7 =	sld [smem:$0x3FB5]  }
0x2d: {  	s3 =	simm.s32 $0x108;
	s8 =	sld [smem:$0x3FB6]  }
0x2e: {  	s3 =	simm.s32 @!p0 $0x1082;
	s9 =	sld [smem:$0x3FB7]  }
0x2f: {  	lr =	sadd.s32 s0, s3;
	s0 =	sld [smem:$0x3FAE]  }
0x30: {  	s3 =	sld [smem:$0x3FB1]  }
0x31: {  	[smem:$0x3FBA] =	sst s10  }
0x32: {  	s10 =	sld [smem:$0x3FB8];
	_ =	sdelay $0x3  }
0x33: {  	p0 =	seq.s32 s10, $0x1;
	s10 =	sld [smem:$0x3FBA];
	_ =	sdelay $0x3  }
0x34: {  	[smem:$0x3FBA] =	sst s10  }
0x35: {  	s10 =	sld [smem:$0x3FB9];
	_ =	sdelay $0x3  }
0x36: {  	p1 =	seq.s32 s10, $0x1;
	s10 =	sld [smem:$0x3FBA];
	_ =	sdelay $0x3  }
0x37: {  	[smem:$0x3FBA] =	sst s10  }
0x38: {  	s10 =	sld [smem:$0x3FBB]  }
0x39: {  	_ = 	snop;
	(pc) =	sbr.ind lr, $3  }
0x3a: {  	_ = 	snop  }
0x3b: {  	_ = 	snop  }
0x3c: {  	p2 =	seq.s32 s10, $0x1;
	s10 =	sld [smem:$0x3FBA]  }
0x3d: {  	_ =	shalt  }
0x3e: {  	_ =	shalt  }
0x3f: {  	_ =	shalt  }
0x40: {  	_ =	shalt  }
0x41: {  	_ =	shalt  }
0x42: {  	_ =	shalt  }
0x43: {  	_ =	shalt  }
0x44: {  	_ =	shalt  }
0x45: {  	_ =	shalt  }
0x46: {  	_ =	shalt  }
0x47: {  	_ =	shalt  }
0x48: {  	_ =	shalt  }
0x49: {  	_ =	shalt  }
0x4a: {  	_ =	shalt  }
0x4b: {  	_ =	shalt  }
0x4c: {  	_ =	shalt  }
0x4d: {  	_ =	shalt  }
0x4e: {  	_ =	shalt  }
0x4f: {  	_ =	shalt  }
0x50: {  	_ =	shalt  }
0x51: {  	_ =	shalt  }
0x52: {  	_ =	shalt  }
0x53: {  	_ =	shalt  }
0x54: {  	_ =	shalt  }
0x55: {  	_ =	shalt  }
0x56: {  	_ =	shalt  }
0x57: {  	_ =	shalt  }
0x58: {  	_ =	shalt  }
0x59: {  	_ =	shalt  }
0x5a: {  	_ =	shalt  }
0x5b: {  	_ =	shalt  }
0x5c: {  	_ =	shalt  }
0x5d: {  	_ =	shalt  }
0x5e: {  	_ =	shalt  }
0x5f: {  	_ =	shalt  }
0x60: {  	_ =	shalt  }
0x61: {  	_ =	shalt  }
0x62: {  	_ =	shalt  }
0x63: {  	_ =	shalt  }
0x64: {  	_ =	shalt  }
0x65: {  	_ =	shalt  }
0x66: {  	_ =	shalt  }
0x67: {  	_ =	shalt  }
0x68: {  	_ =	shalt  }
0x69: {  	_ =	shalt  }
0x6a: {  	_ =	shalt  }
0x6b: {  	_ =	shalt  }
0x6c: {  	_ =	shalt  }
0x6d: {  	_ =	shalt  }
0x6e: {  	_ =	shalt  }
0x6f: {  	_ =	shalt  }
0x70: {  	_ =	shalt  }
0x71: {  	_ =	shalt  }
0x72: {  	_ =	shalt  }
0x73: {  	_ =	shalt  }
0x74: {  	_ =	shalt  }
0x75: {  	_ =	shalt  }
0x76: {  	_ =	shalt  }
0x77: {  	_ =	shalt  }
0x78: {  	_ =	shalt  }
0x79: {  	_ =	shalt  }
0x7a: {  	_ =	shalt  }
0x7b: {  	_ =	shalt  }
0x7c: {  	_ =	shalt  }
0x7d: {  	_ =	shalt  }
0x7e: {  	_ =	shalt  }
0x7f: {  	_ =	shalt  }
0x80: {  	_ =	shalt  }
0x81: {  	_ =	shalt  }
0x82: {  	_ =	shalt  }
0x83: {  	_ =	shalt  }
0x84: {  	_ =	shalt  }
0x85: {  	_ =	shalt  }
0x86: {  	_ =	shalt  }
0x87: {  	_ =	shalt  }
.Lfunc_end0:
.L_simem_size_0:
called_computation.1_lowered:
.L_overlay_start_0:
0x88: {  	s2 =	sld [smem:$0x3FD9]  }
0x89: {  	s3 =	sld [smem:$0x3FFE];
	_ =	sdelay $0x1  }
0x8a: {  	s1 =	srdreg.scid  }
0x8b: {  	s0 =	sand.u32 $0x1, s1  }
0x8c: {  	s14 =	sshll.u32 s0, $0xA;
	s2 =	sadd.s32 s3, s2  }
0x8d: {  	s2 =	sadd.s32 s2, s14  }
0x8e: {  	[smem:$0x3FC6] =	sst s2  }
0x8f: {  	_ = 	snop  }
0x90: {  	s2 =	sld [smem:$0x3FD0];
	_ =	sdelay $0x2  }
0x91: {  	s15 =	simm.s32 $0xA;
	s4 =	simm.s32 $0x10  }
0x92: {  	[smem:s4], [sflag:s15] =	dma.local [hbm:s2], $0x1  }
0x93: {  	_ =	swait.eq [sflag:s15], $0x1  }
0x94: {  	[sflag:s15] =	ssyncset.done $0x0  }
0x95: {  	[sflag:s15] =	ssyncadd.s32 $0xFFFFFFFF  }
0x96: {  	s16 =	sld [smem:$0x11];
	(tm) =	ssettm $0x1  }
0x97: {  	s17 =	sld [smem:$0x3FFB];
	_ =	sdelay $0x3  }
0x98: {  	_ =	strace s17  }
0x99: {  	s3 =	sld [smem:$0x3FFC];
	_ =	sdelay $0x3  }
0x9a: {  	_ =	strace s3  }
0x9b: {  	s3 =	sld [smem:$0x3FFD];
	_ =	sdelay $0x3  }
0x9c: {  	_ =	strace s3  }
0x9d: {  	_ =	strace $0x8FFFFFFF  }
0x9e: {  	s18 =	sld [smem:$0x3FDB];
	_ =	sdelay $0x1  }
0x9f: {  	s19 =	simm.s32 $_scs_section_size  }
0xa0: {  	s5 =	simm.s32 $_size__tile_overlayer_lowered;
	s6 =	simm.s32 $_tile_overlayer_lowered  }
0xa1: {  	s22 =	simm.s32 $0x1BFF;
	s21 =	sshll.u32 s6, $0x1;
	s3 =	sadd.s32 s19, s18  }
0xa2: {  	s7 =	simm.s32 $0x0;
	s20 =	sshll.u32 s5, $0x1;
	s5 =	sadd.s32 s21, s3  }
0xa3: {  	[timem:s7], [sflag:s22] =	dma.local [hbm:s5], s20  }
0xa4: {  	_ =	swait.ge [sflag:s22], s20  }
0xa5: {  	s4 =	ssub.s32 $0x0, s20;
	[sflag:s22] =	ssyncset.done $0x0  }
0xa6: {  	[sflag:s22] =	ssyncadd.s32 s4;
	_ =	sdelay $0x1  }
0xa7: {  	s23 =	simm.s32 $0x1B8B  }
0xa8: {  	_ =	swait.ge [sflag:s23], $0x1  }
0xa9: {  	[sflag:s23] =	ssyncset.done $0x0  }
0xaa: {  	s25 =	simm.s32 $0x1B8E;
	s24 =	sld [smem:$0x3FFE];
	[sflag:s23] =	ssyncadd.s32 $0xFFFFFFFF  }
0xab: {  	s26 =	simm.s32 $execute0_lowered;
	[smem:$0x3FD2] =	sst s25  }
0xac: {  	s5 =	sshll.u32 s26, $0x1;
	_ =	strace $0x80000049;
	[dreg:$0x1] =	wrdreg $0xFFFFFFFF  }
0xad: {  	s28 =	simm.s32 $_size_execute0_lowered;
	s3 =	sadd.s32 s3, s5;
	[dreg:$0x0] =	wrdreg $0x0  }
0xae: {  	s5 =	sshll.u32 s28, $0x1;
	[dreg:$0x2] =	wrdreg s3  }
0xaf: {  	[dreg:$0x3] =	wrdreg s5  }
0xb0: {  	[dreg:$0x4] =	wrdreg $0xC0  }
0xb1: {  	_ =	task [dreg:s7], $0x5FFFF  }
0xb2: {  	[dreg:$0x1] =	wrdreg $0xFFFFFFFF  }
0xb3: {  	[dreg:$0x0] =	wrdreg $0x60  }
0xb4: {  	[dreg:$0x2] =	wrdreg s16  }
0xb5: {  	[dreg:$0x3] =	wrdreg s24  }
0xb6: {  	[dreg:$0x4] =	wrdreg $0x9  }
0xb7: {  	_ =	task.clear_ibuf [dreg:s7], $0x5FFFF;
	_ =	strace $0x90000049  }
0xb8: {  	s29 =	simm.s32 $0x9;
	_ =	strace $0x8000004B  }
0xb9: {  	_ =	swait.ge [sflag:s29], $0x1  }
0xba: {  	[sflag:s29] =	ssyncadd.s32 $0xFFFFFFFF  }
0xbb: {  	_ =	strace $0x9000004B  }
0xbc: {  	_ =	sfence  }
0xbd: {  	s30 =	sld [smem:$0x0];
	_ =	sdelay $0x2  }
0xbe: {  	s31 =	sshll.u32 s1, $0xD;
	s1 =	sshrl.u32 s1, $0x2  }
0xbf: {  	s3 =	sand.u32 $0x4000, s31;
	s1 =	sadd.s32 s1, s30  }
0xc0: {  	s0 =	sor.u32 s3, s0;
	s1 =	sshll.u32 s1, $0x11  }
0xc1: {  	s0 =	sor.u32 s1, s0  }
0xc2: {  	s0 =	sadd.s32 $0x8F2B, s0  }
0xc3: {  	[sflag:s0] =	ssyncadd.remote.s32 $0x1  }
0xc4: {  	_ =	sfence.sel $0xFFFF  }
0xc5: {  	[dreg:$0x0] =	wrdreg $0xFFFFFFFF;
	(pc) =	sbr.abs _section_cstart, $3  }
0xc6: {  	[dreg:$0x1] =	wrdreg $0xFFFFFFFF  }
0xc7: {  	_ =	task.clear_ibuf [dreg:s7], $0x2FFFF;
	_ =	strace $0x9FFFFFFF  }
0xc8: {  	(tm) =	ssettm $0x7FFFFFFF  }
0xc9: {  	_ =	shalt  }
tec
execute0_lowered:
.L_overlay_start_1:
0x0: {  	(tag) =	ssettag $0x1  }
0x1: {  	s1 =	srdreg.scid  }
0x2: {  	s0 =	stileid.u32;
	s4 =	sand.u32 $0x1, s1  }
0x3: {  	s23 =	sshll.u32 s0, $0x8;
	s3 =	sshll.u32 s4, $0x7  }
0x4: {  	s2 =	rddreg [dreg:$0x0];
	s5 =	sor.u32 s3, s23  }
0x5: {  	s6 =	rddreg [dreg:$0x1];
	s10 =	simm.s32 $0x0;
	s3 =	sshrl.u32 s5, $0x3  }
0x6: {  	s12 =	simm.s32 $0x3;
	[smem:$0x7FF] =	sst s10;
	s6 =	sadd.s32 s3, s6  }
0x7: {  	s1 =	rddreg [dreg:$0x2];
	_ =	strace $0x8000004A;
	s11 =	sadd.s32 $0x2E00, s6  }
0x8: {  	[tilespmem:s10], [sflag:$0x3] =	stream.linear.gather [hbm4b:s11+s10], $0x80, $0x38;
	[tilespmem:$0x500] =	vst v63  }
0x9: {  	_ =	swait.ge [sflag:s12], $0x80  }
0xa: {  	[sflag:s12] =	ssyncset.done $0x0  }
0xb: {  	s3 =	simm.s32 $0x80;
	s13 =	sadd.s32 $0x3000, s6;
	[sflag:s12] =	ssyncadd.s32 $0xFFFFFF80  }
0xc: {  	[tilespmem:s3], [sflag:$0x3] =	stream.linear.gather [hbm4b:s13+s10], $0x80, $0x38;
	[tilespmem:$0x500] =	vst v63  }
0xd: {  	_ =	swait.ge [sflag:s12], $0x80  }
0xe: {  	[sflag:s12] =	ssyncset.done $0x0  }
0xf: {  	s15 =	simm.s32 $0x100;
	s14 =	sadd.s32 $0x3600, s6;
	[sflag:s12] =	ssyncadd.s32 $0xFFFFFF80  }
0x10: {  	[tilespmem:s15], [sflag:$0x3] =	stream.linear.gather [hbm4b:s14+s10], $0x80, $0x38;
	[tilespmem:$0x500] =	vst v63  }
0x11: {  	_ =	swait.ge [sflag:s12], $0x80  }
0x12: {  	[sflag:s12] =	ssyncset.done $0x0  }
0x13: {  	s17 =	simm.s32 $0x180;
	s16 =	sadd.s32 $0x3800, s6;
	[sflag:s12] =	ssyncadd.s32 $0xFFFFFF80  }
0x14: {  	[tilespmem:s17], [sflag:$0x3] =	stream.linear.gather [hbm4b:s16+s10], $0x80, $0x38;
	[tilespmem:$0x500] =	vst v63  }
0x15: {  	_ =	swait.ge [sflag:s12], $0x80  }
0x16: {  	[sflag:s12] =	ssyncset.done $0x0  }
0x17: {  	s19 =	simm.s32 $0x200;
	s18 =	sadd.s32 $0x3200, s6;
	[sflag:s12] =	ssyncadd.s32 $0xFFFFFF80  }
0x18: {  	[tilespmem:s19], [sflag:$0x3] =	stream.linear.gather [hbm4b:s18+s10], $0x80, $0x38;
	[tilespmem:$0x500] =	vst v63  }
0x19: {  	_ =	swait.ge [sflag:s12], $0x80  }
0x1a: {  	[sflag:s12] =	ssyncset.done $0x0  }
0x1b: {  	s21 =	simm.s32 $0x280;
	s20 =	sadd.s32 $0x3400, s6;
	[sflag:s12] =	ssyncadd.s32 $0xFFFFFF80  }
0x1c: {  	[tilespmem:s21], [sflag:$0x3] =	stream.linear.gather [hbm4b:s20+s10], $0x80, $0x38;
	[tilespmem:$0x500] =	vst v63  }
0x1d: {  	_ =	swait.ge [sflag:s12], $0x80  }
0x1e: {  	[sflag:s12] =	ssyncset.done $0x0  }
0x1f: {  	[sflag:s12] =	ssyncadd.s32 $0xFFFFFF80  }
0x20: {  	v2 =	vld [tilespmem:$0x30]  }
0x21: {  	v29 =	vld [tilespmem:$0x240]  }
0x22: {  	v21 =	vld [tilespmem:$0x1C0]  }
0x23: {  	v26 =	vld [tilespmem:$0x140]  }
0x24: {  	v14 =	vld [tilespmem:$0x150]  }
0x25: {  	v8 =	vld [tilespmem:$0x40]  }
0x26: {  	v18 =	vld [tilespmem:$0x2C0]  }
0x27: {  	v9 =	vld [tilespmem:$0x220]  }
0x28: {  	v0 =	vlaneseq.u32;
	v32 =	vld [tilespmem:$0x250]  }
0x29: {  	v10 =	vmul.u32 $0x2000, v0;
	v1 =	vmov s5;
	s24 =	sor.u32 $0x10, s5;
	v13 =	vld [tilespmem:$0x2B0]  }
0x2a: {  	s25 =	sor.u32 $0x20, s5;
	v0 =	vshll.u32 v1, $0xD;
	v1 =	vmov s24;
	v11 =	vld [tilespmem:$0x230]  }
0x2b: {  	s26 =	sor.u32 $0x30, s5;
	v3 =	vor.u32 v10, v0;
	v0 =	vshll.u32 v1, $0xD;
	v1 =	vmov s25;
	v19 =	vld [tilespmem:$0x130]  }
0x2c: {  	s28 =	sor.u32 $0x40, s5;
	v5 =	vmov s26;
	v4 =	vor.u32 v10, v0;
	v0 =	vshll.u32 v1, $0xD;
	v12 =	vld [tilespmem:$0x120]  }
0x2d: {  	s29 =	sor.u32 $0x50, s5;
	v6 =	vmov s28;
	v1 =	vor.u32 v10, v0;
	v0 =	vshll.u32 v5, $0xD;
	v22 =	vld [tilespmem:$0x1A0]  }
0x2e: {  	s30 =	sor.u32 $0x60, s5;
	v5 =	vor.u32 v10, v0;
	v0 =	vshll.u32 v6, $0xD;
	v6 =	vmov s29;
	v20 =	vld [tilespmem:$0x110]  }
0x2f: {  	s5 =	sor.u32 $0x70, s5;
	v15 =	vmov s30;
	v7 =	vor.u32 v10, v0;
	v0 =	vshll.u32 v6, $0xD;
	v27 =	vld [tilespmem:$0x100]  }
0x30: {  	v6 =	vor.u32 v10, v0;
	v0 =	vshll.u32 v15, $0xD;
	v15 =	vmov s5;
	v16 =	vld [tilespmem:$0x210]  }
0x31: {  	v0 =	vor.u32 v10, v0;
	v15 =	vshll.u32 v15, $0xD;
	v17 =	vld [tilespmem:$0x290];
	v24 =	vshll.u32 v2, $0x7  }
0x32: {  	v23 =	vld [tilespmem:$0x1B0];
	v2 =	vor.u32 v10, v15;
	v8 =	vshll.u32 v8, $0x7;
	vm0 =	vlt.s32 v12, $0x80  }
0x33: {  	s4 =	ssub.s32 $0x2, s4;
	v34 =	vld [tilespmem:$0x190];
	vm3 =	vlt.s32 v19, $0x80;
	vm5 =	vlt.s32 v22, $0x80;
	vm2 =	vlt.s32 v20, $0x80  }
0x34: {  	s31 =	sshrl.u32 s4, $0x1;
	v30 =	vld [tilespmem:$0x2A0];
	vm4 =	vlt.s32 v27, $0x80;
	vm7 =	vlt.s32 v21, $0x80;
	vm8 =	vlt.s32 v26, $0x80  }
0x35: {  	s4 =	ssub.s32 s4, s31;
	v38 =	vld [tilespmem:$0x200];
	v15 =	vadd.s32 v5, v24;
	v31 =	vadd.s32 v7, v8;
	v12 =	vnsel vm0, $0x0, v12  }
0x36: {  	s22 =	smax.u32 s4, $0x1;
	v10 =	vld [tilespmem:$0x170];
	v25 =	vnsel vm3, $0x0, v11;
	v8 =	vnsel vm0, $0x0, v9;
	v11 =	vnsel vm5, $0x0, v22  }
0x37: {  	p0 =	sne.s32 s22, $0x1;
	v24 =	vld [tilespmem:$0x1F0];
	vm0 =	vlt.s32 v23, $0x80;
	v18 =	vnsel vm7, $0x0, v18;
	v29 =	vnsel vm8, $0x0, v29  }
.Ltmp0:
0x38: {  	v33 =	vld [tilespmem:$0x180];
	v28 =	vnsel vm0, $0x0, v13;
	v13 =	vnsel vm0, $0x0, v23;
	vm0 =	vlt.s32 v34, $0x80;
	(pc) =	sbr.rel @!p0 .LBB2_2-.Ltmp0, $4  }
0x39: {  	v36 =	vld [tilespmem:$0x50];
	v23 =	vnsel vm2, $0x0, v16;
	v9 =	vadd.f32 v28, v25;
	v22 =	vnsel vm0, $0x0, v17  }
0x3a: {  	s7 =	simm.s32 $0x480;
	v16 =	vnsel vm0, $0x0, v34;
	v17 =	vld [tilespmem:$0x2D0];
	vm0 =	vlt.s32 v14, $0x80;
	v35 =	vadd.f32 v22, v23  }
0x3b: {  	s9 =	simm.s32 $0x1;
	s8 =	simm.s32 $0x2;
	s4 =	simm.s32 $0x300;
	v34 =	vld [tilespmem:$0xC0];
	v37 =	vmax.f32 v9, $1.192092900e-07;
	v9 =	vnsel vm0, $0x0, v32;
	v32 =	vnsel vm0, $0x0, v14  }
0x3c: {  	s6 =	simm.s32 $0x380;
	s22 =	sadd.s32 $0xFFFFFFFF, s22;
	s5 =	simm.s32 $0x400;
	v14 =	vnsel vm4, $0x0, v38;
	v38 =	vld [tilespmem:$0xD0];
	vm0 =	vlt.s32 v10, $0x80;
	vm1 =	vlt.s32 v24, $0x80  }
.LBB2_1:
0x3d: {  	p0 =	sne.s32 s22, $0x1;
	s22 =	sadd.s32 $0xFFFFFFFF, s22;
	vm6 =	vlt.s32 v33, $0x80;
	v39 =	vadd.f32 v18, v29;
	v40 =	vnsel vm8, $0x0, v26;
	v41 =	vld [tilespmem:$0x1D0]  }
0x3e: {  	v26 =	vmax.f32 v35, $1.192092900e-07;
	v42 =	vld [tilespmem:$0x80];
	v35 =	vshll.u32 v36, $0x7;
	(erf) = vrcp.f32 v37  }
0x3f: {  	v33 =	vnsel vm6, $0x0, v33;
	v36 =	vmax.f32 v39, $1.192092900e-07;
	(erf) = vrcp.f32 v26  }
0x40: {  	v21 =	vnsel vm7, $0x0, v21;
	v26 =	vnsel vm5, $0x0, v30;
	v30 =	vshll.u32 v34, $0x7;
	v37 =	vld [tilespmem:$0x10]  }
0x41: {  	v31 =	vadd.s32 v40, v31;
	v34 =	vadd.f32 v26, v8;
	v38 =	vshll.u32 v38, $0x7;
	v39 =	vld [tilespmem:$0x270]  }
0x42: {  	v30 =	vadd.s32 v7, v30;
	[tilespmem:$0x340] =	vst v31;
	vm5 =	vlt.s32 v41, $0x80;
	v31 =	vld [tilespmem:$0xF0];
	(erf) = vrcp.f32 v36  }
0x43: {  	v21 =	vadd.s32 v21, v30;
	v34 =	vmax.f32 v34, $1.192092900e-07;
	v30 =	vadd.s32 v6, v38;
	v36 =	vld [tilespmem:$0x90]  }
0x44: {  	v38 =	vshll.u32 v42, $0x7;
	[tilespmem:$0x3C0] =	vst v21;
	v21 =	vadd.s32 v6, v35;
	v35 =	vnsel vm5, $0x0, v41;
	v40 =	vld [tilespmem:$0x2F0]  }
0x45: {  	v38 =	vadd.s32 v3, v38;
	v41 =	vld [tilespmem:$0xB0];
	v21 =	vadd.s32 v32, v21;
	v30 =	vadd.s32 v35, v30  }
0x46: {  	v19 =	vnsel vm3, $0x0, v19;
	v33 =	vadd.s32 v33, v38;
	v35 =	vshll.u32 v37, $0x7;
	v32 =	vld [tilespmem:$0x280];
	[tilespmem:$0x3D0] =	vst v30  }
0x47: {  	v27 =	vnsel vm4, $0x0, v27;
	v24 =	vnsel vm1, $0x0, v24;
	v30 =	vld [tilespmem:$0x20];
	[tilespmem:$0x350] =	vst v21;
	v21 =	vnsel vm0, $0x0, v39;
	v37 =	vpop (erf)  }
0x48: {  	v35 =	vadd.s32 v4, v35;
	v25 =	vmul.f32 v37, v25;
	v28 =	vmul.f32 v37, v28;
	v37 =	vld [tilespmem:$0x2E0];
	v38 =	vpop (erf)  }
0x49: {  	v20 =	vnsel vm2, $0x0, v20;
	v31 =	vshll.u32 v31, $0x7;
	[tilespmem:$0x380] =	vst v33;
	v33 =	vshll.u32 v36, $0x7;
	v36 =	vld [tilespmem:$0x1E0]  }
0x4a: {  	v20 =	vadd.s32 v20, v35;
	v31 =	vadd.s32 v2, v31;
	v23 =	vmul.f32 v38, v23;
	[tilespmem:$0x430] =	vst v25;
	v25 =	vld [tilespmem:$0x160]  }
0x4b: {  	v22 =	vmul.f32 v38, v22;
	v35 =	vshll.u32 v41, $0x7;
	v32 =	vnsel vm6, $0x0, v32;
	[tilespmem:$0x4B0] =	vst v28;
	v28 =	vld [tilespmem:$0x260];
	v38 =	vpop (erf)  }
0x4c: {  	v15 =	vadd.s32 v19, v15;
	v39 =	vadd.f32 v32, v14;
	[tilespmem:$0x310] =	vst v20;
	v20 =	vld [tilespmem:$0xA0];
	v19 =	vmul.f32 v38, v29  }
0x4d: {  	v29 =	vld [tilespmem:$0x0];
	[tilespmem:$0x410] =	vst v23;
	v23 =	vshll.u32 v30, $0x7;
	(erf) = vrcp.f32 v34  }
0x4e: {  	v30 =	vmax.f32 v39, $1.192092900e-07;
	[tilespmem:$0x440] =	vst v19;
	vm2 =	vlt.s32 v36, $0x80;
	v19 =	vnsel vm1, $0x0, v40  }
0x4f: {  	v17 =	vnsel vm5, $0x0, v17;
	[tilespmem:$0x490] =	vst v22;
	v22 =	vld [tilespmem:$0x60];
	vm1 =	vlt.s32 v25, $0x80;
	v34 =	vnsel vm2, $0x0, v37  }
0x50: {  	v33 =	vadd.s32 v4, v33;
	[tilespmem:$0x330] =	vst v15;
	v15 =	vadd.f32 v17, v9;
	(erf) = vrcp.f32 v30  }
0x51: {  	v16 =	vadd.s32 v16, v33;
	v33 =	vadd.f32 v19, v21;
	v25 =	vnsel vm1, $0x0, v25;
	v30 =	vld [tilespmem:$0xE0]  }
0x52: {  	v24 =	vadd.s32 v24, v31;
	v28 =	vnsel vm1, $0x0, v28;
	[tilespmem:$0x390] =	vst v16;
	v16 =	vadd.s32 v5, v35  }
0x53: {  	v29 =	vshll.u32 v29, $0x7;
	v13 =	vadd.s32 v13, v16;
	v16 =	vmul.f32 v38, v18  }
0x54: {  	v20 =	vshll.u32 v20, $0x7;
	v18 =	vadd.s32 v3, v29;
	[tilespmem:$0x3B0] =	vst v13;
	v13 =	vmax.f32 v33, $1.192092900e-07  }
0x55: {  	v29 =	vadd.s32 v1, v23;
	v22 =	vshll.u32 v22, $0x7;
	(erf) = vrcp.f32 v13  }
0x56: {  	v12 =	vadd.s32 v12, v29;
	v13 =	vadd.s32 v0, v22;
	v22 =	vshll.u32 v30, $0x7;
	v23 =	vpop (erf)  }
0x57: {  	v20 =	vadd.s32 v1, v20;
	v29 =	vadd.f32 v34, v28;
	v30 =	vnsel vm2, $0x0, v36  }
0x58: {  	v11 =	vadd.s32 v11, v20;
	v18 =	vadd.s32 v27, v18;
	v20 =	vadd.s32 v0, v22;
	v22 =	vld [tilespmem:$0x70]  }
0x59: {  	v13 =	vadd.s32 v25, v13;
	v20 =	vadd.s32 v30, v20;
	[tilespmem:$0x300] =	vst v18;
	v18 =	vmax.f32 v29, $1.192092900e-07;
	v25 =	vpop (erf)  }
0x5a: {  	v15 =	vmax.f32 v15, $1.192092900e-07;
	v14 =	vmul.f32 v25, v14;
	v25 =	vmul.f32 v25, v32;
	[tilespmem:$0x3F0] =	vst v24  }
0x5b: {  	v8 =	vmul.f32 v23, v8;
	[tilespmem:$0x4C0] =	vst v16;
	(erf) = vrcp.f32 v18  }
0x5c: {  	v16 =	vmul.f32 v23, v26;
	[tilespmem:$0x480] =	vst v25;
	(erf) = vrcp.f32 v15  }
0x5d: {  	[tilespmem:$0x400] =	vst v14;
	v15 =	vshll.u32 v22, $0x7  }
0x5e: {  	v10 =	vnsel vm0, $0x0, v10;
	[tilespmem:$0x320] =	vst v12;
	v12 =	vadd.s32 v2, v15;
	v14 =	vpop (erf)  }
0x5f: {  	[tilespmem:$0x3E0] =	vst v20;
	v10 =	vadd.s32 v10, v12;
	v12 =	vmul.f32 v14, v21;
	v14 =	vmul.f32 v14, v19  }
0x60: {  	[tilespmem:$0x3A0] =	vst v11  }
0x61: {  	[tilespmem:$0x4F0] =	vst v14  }
0x62: {  	[tilespmem:$0x370] =	vst v10  }
0x63: {  	[tilespmem:$0x470] =	vst v12  }
0x64: {  	[tilespmem:$0x420] =	vst v8;
	v8 =	vpop (erf)  }
0x65: {  	[tilespmem:$0x4A0] =	vst v16;
	v10 =	vmul.f32 v8, v28;
	v8 =	vmul.f32 v8, v34;
	v11 =	vpop (erf)  }
0x66: {  	v9 =	vmul.f32 v11, v9;
	v11 =	vmul.f32 v11, v17;
	[tilespmem:$0x360] =	vst v13  }
0x67: {  	[tilespmem:$0x4E0] =	vst v8  }
0x68: {  	[tilespmem:$0x4D0] =	vst v11  }
0x69: {  	[tilespmem:$0x450] =	vst v9  }
0x6a: {  	[tilespmem:$0x460] =	vst v10  }
0x6b: {  	[hbm4b:s2+s3] =	stream.indirect.scatter [tilespmem:s5], [sflag:$0x1], $0x1, s4, s3, $0xb8;
	[tilespmem:$0x500] =	vst v63  }
0x6c: {  	_ = 	snop  }
0x6d: {  	[hbm4b:s2+s3] =	stream.indirect.scatter [tilespmem:s7], [sflag:$0x2], $0x1, s6, s3, $0xb8;
	[tilespmem:$0x500] =	vst v63  }
0x6e: {  	_ =	swait.ge [sflag:s9], $0x80  }
0x6f: {  	[sflag:s9] =	ssyncset.done $0x0  }
0x70: {  	[sflag:s9] =	ssyncadd.s32 $0xFFFFFF80  }
0x71: {  	_ =	swait.ge [sflag:s8], $0x80  }
0x72: {  	[sflag:s8] =	ssyncset.done $0x0  }
0x73: {  	[sflag:s8] =	ssyncadd.s32 $0xFFFFFF80  }
0x74: {  	[tilespmem:s10], [sflag:$0x3] =	stream.linear.gather [hbm4b:s11+s10], $0x80, $0x38;
	[tilespmem:$0x500] =	vst v63  }
0x75: {  	_ =	swait.ge [sflag:s12], $0x80  }
0x76: {  	[sflag:s12] =	ssyncset.done $0x0  }
0x77: {  	[sflag:s12] =	ssyncadd.s32 $0xFFFFFF80  }
0x78: {  	[tilespmem:s3], [sflag:$0x3] =	stream.linear.gather [hbm4b:s13+s10], $0x80, $0x38;
	[tilespmem:$0x500] =	vst v63  }
0x79: {  	_ =	swait.ge [sflag:s12], $0x80  }
0x7a: {  	[sflag:s12] =	ssyncset.done $0x0  }
0x7b: {  	[sflag:s12] =	ssyncadd.s32 $0xFFFFFF80  }
0x7c: {  	[tilespmem:s15], [sflag:$0x3] =	stream.linear.gather [hbm4b:s14+s10], $0x80, $0x38;
	[tilespmem:$0x500] =	vst v63  }
0x7d: {  	_ =	swait.ge [sflag:s12], $0x80  }
0x7e: {  	[sflag:s12] =	ssyncset.done $0x0  }
0x7f: {  	[sflag:s12] =	ssyncadd.s32 $0xFFFFFF80  }
0x80: {  	[tilespmem:s17], [sflag:$0x3] =	stream.linear.gather [hbm4b:s16+s10], $0x80, $0x38;
	[tilespmem:$0x500] =	vst v63  }
0x81: {  	_ =	swait.ge [sflag:s12], $0x80  }
0x82: {  	[sflag:s12] =	ssyncset.done $0x0  }
0x83: {  	[sflag:s12] =	ssyncadd.s32 $0xFFFFFF80  }
0x84: {  	[tilespmem:s19], [sflag:$0x3] =	stream.linear.gather [hbm4b:s18+s10], $0x80, $0x38;
	[tilespmem:$0x500] =	vst v63  }
0x85: {  	_ =	swait.ge [sflag:s12], $0x80  }
0x86: {  	[sflag:s12] =	ssyncset.done $0x0  }
0x87: {  	[sflag:s12] =	ssyncadd.s32 $0xFFFFFF80  }
0x88: {  	[tilespmem:s21], [sflag:$0x3] =	stream.linear.gather [hbm4b:s20+s10], $0x80, $0x38;
	[tilespmem:$0x500] =	vst v63  }
0x89: {  	_ =	swait.ge [sflag:s12], $0x80  }
0x8a: {  	[sflag:s12] =	ssyncset.done $0x0  }
0x8b: {  	[sflag:s12] =	ssyncadd.s32 $0xFFFFFF80  }
0x8c: {  	v8 =	vld [tilespmem:$0x30]  }
0x8d: {  	v29 =	vld [tilespmem:$0x240]  }
0x8e: {  	v21 =	vld [tilespmem:$0x1C0]  }
0x8f: {  	v26 =	vld [tilespmem:$0x140]  }
0x90: {  	v14 =	vld [tilespmem:$0x150]  }
0x91: {  	v9 =	vld [tilespmem:$0x40]  }
0x92: {  	v18 =	vld [tilespmem:$0x2C0]  }
0x93: {  	v10 =	vld [tilespmem:$0x220]  }
0x94: {  	v32 =	vld [tilespmem:$0x250]  }
0x95: {  	v30 =	vld [tilespmem:$0x2A0]  }
0x96: {  	v13 =	vld [tilespmem:$0x2B0];
	v9 =	vshll.u32 v9, $0x7  }
0x97: {  	v11 =	vld [tilespmem:$0x230]  }
0x98: {  	v16 =	vld [tilespmem:$0x210]  }
0x99: {  	v19 =	vld [tilespmem:$0x130]  }
0x9a: {  	v12 =	vld [tilespmem:$0x120]  }
0x9b: {  	v17 =	vld [tilespmem:$0x290]  }
0x9c: {  	v22 =	vld [tilespmem:$0x1A0]  }
0x9d: {  	v8 =	vshll.u32 v8, $0x7;
	v23 =	vld [tilespmem:$0x1B0]  }
0x9e: {  	v15 =	vadd.s32 v5, v8;
	v20 =	vld [tilespmem:$0x110]  }
0x9f: {  	v34 =	vld [tilespmem:$0x190];
	vm0 =	vlt.s32 v12, $0x80  }
0xa0: {  	v31 =	vadd.s32 v7, v9;
	vm3 =	vlt.s32 v19, $0x80;
	v24 =	vld [tilespmem:$0x1F0]  }
0xa1: {  	v25 =	vnsel vm3, $0x0, v11;
	v12 =	vnsel vm0, $0x0, v12;
	v27 =	vld [tilespmem:$0x100];
	vm5 =	vlt.s32 v22, $0x80  }
0xa2: {  	v8 =	vnsel vm0, $0x0, v10;
	v33 =	vld [tilespmem:$0x180];
	v11 =	vnsel vm5, $0x0, v22;
	vm0 =	vlt.s32 v23, $0x80  }
0xa3: {  	vm2 =	vlt.s32 v20, $0x80;
	v28 =	vnsel vm0, $0x0, v13;
	v13 =	vnsel vm0, $0x0, v23;
	v10 =	vld [tilespmem:$0x170]  }
0xa4: {  	v38 =	vld [tilespmem:$0x200];
	vm0 =	vlt.s32 v34, $0x80;
	v23 =	vnsel vm2, $0x0, v16;
	v9 =	vadd.f32 v28, v25  }
.Ltmp1:
0xa5: {  	v22 =	vnsel vm0, $0x0, v17;
	v16 =	vnsel vm0, $0x0, v34;
	v17 =	vld [tilespmem:$0x2D0];
	vm1 =	vlt.s32 v24, $0x80;
	(pc) =	sbr.rel @p0 .LBB2_1-.Ltmp1, $4  }
0xa6: {  	vm0 =	vlt.s32 v14, $0x80;
	vm4 =	vlt.s32 v27, $0x80;
	v35 =	vadd.f32 v22, v23;
	v36 =	vld [tilespmem:$0x50]  }
0xa7: {  	vm7 =	vlt.s32 v21, $0x80;
	v37 =	vmax.f32 v9, $1.192092900e-07;
	v9 =	vnsel vm0, $0x0, v32;
	v34 =	vld [tilespmem:$0xC0]  }
0xa8: {  	vm8 =	vlt.s32 v26, $0x80;
	v18 =	vnsel vm7, $0x0, v18;
	v32 =	vnsel vm0, $0x0, v14  }
0xa9: {  	v29 =	vnsel vm8, $0x0, v29;
	vm0 =	vlt.s32 v10, $0x80;
	v14 =	vnsel vm4, $0x0, v38;
	v38 =	vld [tilespmem:$0xD0]  }
.LBB2_2:
0xaa: {  	v41 =	vld [tilespmem:$0x1D0]  }
0xab: {  	vm6 =	vlt.s32 v33, $0x80;
	v39 =	vadd.f32 v18, v29;
	v46 =	vld [tilespmem:$0x80]  }
0xac: {  	v40 =	vnsel vm8, $0x0, v26;
	v44 =	vmax.f32 v35, $1.192092900e-07;
	(erf) = vrcp.f32 v37;
	v48 =	vld [tilespmem:$0x10]  }
0xad: {  	v26 =	vnsel vm5, $0x0, v30;
	v21 =	vnsel vm7, $0x0, v21;
	v51 =	vld [tilespmem:$0x270];
	v19 =	vnsel vm3, $0x0, v19  }
0xae: {  	v52 =	vld [tilespmem:$0x280];
	v27 =	vnsel vm4, $0x0, v27;
	v24 =	vnsel vm1, $0x0, v24;
	v20 =	vnsel vm2, $0x0, v20  }
0xaf: {  	v54 =	vld [tilespmem:$0xF0];
	v10 =	vnsel vm0, $0x0, v10;
	v45 =	vshll.u32 v36, $0x7;
	v33 =	vnsel vm6, $0x0, v33  }
0xb0: {  	v57 =	vld [tilespmem:$0x90];
	(erf) = vrcp.f32 v44;
	v50 =	vadd.f32 v26, v8;
	v31 =	vadd.s32 v40, v31  }
0xb1: {  	v58 =	vld [tilespmem:$0x2F0];
	v15 =	vadd.s32 v19, v15;
	v47 =	vmax.f32 v39, $1.192092900e-07;
	v55 =	vadd.s32 v6, v45  }
0xb2: {  	v62 =	vld [tilespmem:$0x20];
	v49 =	vshll.u32 v34, $0x7;
	(erf) = vrcp.f32 v47;
	v34 =	vmax.f32 v50, $1.192092900e-07  }
0xb3: {  	v38 =	vshll.u32 v38, $0x7;
	v7 =	vadd.s32 v7, v49;
	vm13 =	vlt.s32 v41, $0x80  }
0xb4: {  	v61 =	vld [tilespmem:$0xB0];
	v7 =	vadd.s32 v21, v7;
	v53 =	vadd.s32 v6, v38;
	v36 =	vshll.u32 v46, $0x7  }
0xb5: {  	v6 =	vadd.s32 v32, v55;
	v60 =	vshll.u32 v48, $0x7;
	v35 =	vnsel vm0, $0x0, v51  }
0xb6: {  	[tilespmem:$0x340] =	vst v31;
	v45 =	vld [tilespmem:$0x1E0];
	v30 =	vnsel vm6, $0x0, v52;
	v46 =	vshll.u32 v57, $0x7;
	v37 =	vshll.u32 v54, $0x7  }
0xb7: {  	[tilespmem:$0x330] =	vst v15;
	v31 =	vnsel vm1, $0x0, v58;
	v57 =	vshll.u32 v62, $0x7;
	v56 =	vnsel vm13, $0x0, v41  }
0xb8: {  	v36 =	vadd.s32 v3, v36;
	[tilespmem:$0x3C0] =	vst v7;
	v42 =	vadd.f32 v30, v14;
	v51 =	vadd.s32 v2, v37  }
0xb9: {  	v48 =	vld [tilespmem:$0x2E0];
	[tilespmem:$0x350] =	vst v6;
	v7 =	vshll.u32 v61, $0x7;
	v61 =	vadd.s32 v4, v46;
	v21 =	vadd.s32 v56, v53  }
0xba: {  	v41 =	vld [tilespmem:$0x70];
	v6 =	vadd.s32 v1, v57;
	v59 =	vadd.s32 v33, v36;
	v33 =	vadd.s32 v4, v60;
	[tilespmem:$0x3D0] =	vst v21  }
0xbb: {  	v36 =	vld [tilespmem:$0x160];
	v56 =	vadd.f32 v31, v35;
	vm14 =	vlt.s32 v45, $0x80;
	v4 =	vadd.s32 v16, v61;
	[tilespmem:$0x380] =	vst v59  }
0xbc: {  	v53 =	vld [tilespmem:$0x0];
	v37 =	vadd.s32 v24, v51;
	v47 =	vmax.f32 v42, $1.192092900e-07;
	[tilespmem:$0x390] =	vst v4;
	v63 =	vpop (erf);
	(erf) = vrcp.f32 v34  }
0xbd: {  	v54 =	vld [tilespmem:$0x260];
	v5 =	vadd.s32 v5, v7;
	v6 =	vadd.s32 v12, v6;
	[tilespmem:$0x3F0] =	vst v37;
	v49 =	vpop (erf);
	(erf) = vrcp.f32 v47  }
0xbe: {  	v20 =	vadd.s32 v20, v33;
	v5 =	vadd.s32 v13, v5;
	[tilespmem:$0x320] =	vst v6;
	v58 =	vmax.f32 v56, $1.192092900e-07  }
0xbf: {  	v59 =	vld [tilespmem:$0xA0];
	[tilespmem:$0x310] =	vst v20;
	v43 =	vmul.f32 v63, v25;
	v44 =	vmul.f32 v63, v28;
	v60 =	vnsel vm14, $0x0, v48  }
0xc0: {  	[tilespmem:$0x3B0] =	vst v5;
	v50 =	vmul.f32 v49, v23;
	v22 =	vmul.f32 v49, v22;
	v49 =	vshll.u32 v41, $0x7  }
0xc1: {  	v46 =	vld [tilespmem:$0x60];
	[tilespmem:$0x430] =	vst v43;
	v52 =	vpop (erf);
	vm15 =	vlt.s32 v36, $0x80;
	(erf) = vrcp.f32 v58;
	v62 =	vshll.u32 v53, $0x7  }
0xc2: {  	v63 =	vld [tilespmem:$0xE0];
	[tilespmem:$0x4B0] =	vst v44;
	v51 =	vadd.s32 v2, v49;
	v55 =	vmul.f32 v52, v29;
	v4 =	vnsel vm15, $0x0, v54  }
0xc3: {  	[tilespmem:$0x490] =	vst v22;
	v22 =	vadd.s32 v3, v62;
	v29 =	vnsel vm13, $0x0, v17;
	v33 =	vadd.f32 v60, v4  }
0xc4: {  	[tilespmem:$0x410] =	vst v50;
	v38 =	vmul.f32 v52, v18;
	v40 =	vshll.u32 v59, $0x7;
	v52 =	vadd.s32 v10, v51  }
0xc5: {  	v57 =	vnsel vm15, $0x0, v36;
	v34 =	vadd.f32 v29, v9;
	[tilespmem:$0x370] =	vst v52;
	v13 =	vmax.f32 v33, $1.192092900e-07;
	v32 =	vpop (erf)  }
0xc6: {  	v3 =	vadd.s32 v27, v22;
	v47 =	vadd.s32 v1, v40;
	[tilespmem:$0x440] =	vst v55;
	v39 =	vpop (erf);
	(erf) = vrcp.f32 v13  }
0xc7: {  	[tilespmem:$0x300] =	vst v3;
	v44 =	vshll.u32 v63, $0x7;
	v55 =	vshll.u32 v46, $0x7;
	v43 =	vmax.f32 v34, $1.192092900e-07  }
0xc8: {  	[tilespmem:$0x4C0] =	vst v38;
	v1 =	vadd.s32 v11, v47;
	v58 =	vadd.s32 v0, v55;
	(erf) = vrcp.f32 v43  }
0xc9: {  	v45 =	vnsel vm14, $0x0, v45;
	[tilespmem:$0x3A0] =	vst v1;
	v13 =	vadd.s32 v0, v44;
	v0 =	vadd.s32 v57, v58  }
0xca: {  	v54 =	vmul.f32 v32, v8;
	v12 =	vadd.s32 v45, v13;
	[tilespmem:$0x360] =	vst v0  }
0xcb: {  	v56 =	vmul.f32 v32, v26;
	[tilespmem:$0x3E0] =	vst v12  }
0xcc: {  	v42 =	vmul.f32 v39, v30;
	[tilespmem:$0x420] =	vst v54  }
0xcd: {  	v3 =	vmul.f32 v39, v14;
	v48 =	vpop (erf);
	[tilespmem:$0x4A0] =	vst v56  }
0xce: {  	[tilespmem:$0x480] =	vst v42;
	v50 =	vmul.f32 v48, v31  }
0xcf: {  	[tilespmem:$0x400] =	vst v3;
	v53 =	vmul.f32 v48, v35;
	v59 =	vpop (erf)  }
0xd0: {  	[tilespmem:$0x4F0] =	vst v50;
	v60 =	vmul.f32 v59, v60  }
0xd1: {  	[tilespmem:$0x470] =	vst v53;
	v61 =	vpop (erf);
	v1 =	vmul.f32 v59, v4  }
0xd2: {  	v62 =	vmul.f32 v61, v29;
	[tilespmem:$0x4E0] =	vst v60  }
0xd3: {  	v63 =	vmul.f32 v61, v9;
	[tilespmem:$0x460] =	vst v1  }
0xd4: {  	[tilespmem:$0x4D0] =	vst v62  }
0xd5: {  	[tilespmem:$0x450] =	vst v63  }
0xd6: {  	[hbm4b:s2+s3] =	stream.indirect.scatter [tilespmem:s5], [sflag:$0x1], $0x1, s4, s3, $0xb8;
	[tilespmem:$0x500] =	vst v63  }
0xd7: {  	_ = 	snop  }
0xd8: {  	[hbm4b:s2+s3] =	stream.indirect.scatter [tilespmem:s7], [sflag:$0x2], $0x1, s6, s3, $0xb8;
	[tilespmem:$0x500] =	vst v63  }
0xd9: {  	_ =	swait.ge [sflag:s9], $0x80  }
0xda: {  	[sflag:s9] =	ssyncset.done $0x0  }
0xdb: {  	[sflag:s9] =	ssyncadd.s32 $0xFFFFFF80  }
0xdc: {  	_ =	swait.ge [sflag:s8], $0x80  }
0xdd: {  	[sflag:s8] =	ssyncset.done $0x0  }
0xde: {  	[sflag:s8] =	ssyncadd.s32 $0xFFFFFF80  }
0xdf: {  	_ =	sfence.sel $0x180000  }
0xe0: {  	[bflag:$0x0] =	sbarrier.arrive $0xFFFF  }
0xe1: {  	p0 =	sne.s32 s0, $0x0;
	_ =	strace $0x9000004A  }
0xe2: {  	s0 =	sadd.s32 @!p0 $0x100000, s1;
	[bflag:$0x2] =	sbarrier.arrive $0xFFFF  }
0xe3: {  	[sflag:s0] =	ssyncadd.tile.s32 @!p0 $0x1;
	_ =	shalt  }
.Lfunc_end2:
_tile_overlayer_lowered:
.L_overlay_start_2:
0xe4: {  	(tag) =	ssettag $0x2  }
0xe5: {  	s0 =	rddreg [dreg:$0x0];
	s2 =	stileid.u32  }
0xe6: {  	s1 =	rddreg [dreg:$0x1];
	p0 =	sne.s32 s2, $0x0  }
0xe7: {  	s3 =	rddreg [dreg:$0x2];
	[bflag:$0x3] =	sbarrier.arrive $0xFFFF;
	s2 =	simm.s32 @!p0 $0x1C03  }
0xe8: {  	[timem:s3], [sflag:s2] =	dma.local @!p0 [hbm:s0], s1  }
0xe9: {  	s0 =	simm.s32 @!p0 $0x3  }
0xea: {  	_ =	swait.ge @!p0 [sflag:s0], s1  }
0xeb: {  	s1 =	ssub.s32 @!p0 $0x0, s1;
	[sflag:s0] =	ssyncset.done @!p0 $0x0  }
0xec: {  	[sflag:s0] =	ssyncadd.s32 @!p0 s1  }
0xed: {  	[bflag:$0x3] =	sbarrier.arrive $0xFFFF  }
0xee: {  	_ =	shalt  }

</sc_bundles>
